<compile_context>
chip_gen: v7x
topology: tpu7x:2x2x1
jax: 0.10.2.dev20260603
libtpu: 0.0.44.dev20260713+nightly
codegen_flags: <defaults>
</compile_context>

<pallas_src>
import functools

import jax
import jax.numpy as jnp
from jax import lax
from jax.experimental import pallas as pl
from jax.experimental.pallas import tpu as pltpu
from jax.experimental.pallas import tpu_sc as plsc

N_NODES = 10000
D_IN = 128
D_OUT = 128
N_EDGES = 320000

NC, NS, L = 2, 16, 16
NW = NC * NS
NPAD = 10240
EPW = N_EDGES // NW
CHUNK = 80
EPWP = 10080
NCH = EPWP // CHUNK
TRASH = N_NODES
RPT = NPAD // NS

_MESH = plsc.VectorSubcoreMesh(
    core_axis_name="c", subcore_axis_name="s", num_cores=NC, num_subcores=NS)


NROW = NPAD // 128


@functools.partial(
    pl.kernel,
    out_type=jax.ShapeDtypeStruct((NC, NROW, 128), jnp.float32),
    mesh=_MESH,
    scratch_types=[
        pltpu.VMEM((EPW,), jnp.int32),
        pltpu.VMEM((NROW, 128), jnp.float32),
        pltpu.VMEM((NROW,), jnp.int32),
        pltpu.VMEM_SHARED((NROW, 128), jnp.float32),
    ],
    compiler_params=pltpu.CompilerParams(needs_layout_passes=False),
)
def _deg_kernel(dst_hbm, zeros_hbm, deg_hbm, didx_v, hist_v, rid_v, deg_sp):
    core = lax.axis_index("c")
    sid = lax.axis_index("s")
    wid = sid * NC + core

    one16 = jnp.ones((L,), jnp.float32)

    pltpu.sync_copy(zeros_hbm, hist_v)

    @pl.when(sid == 0)
    def _():
        pltpu.sync_copy(zeros_hbm, deg_sp)

    for i in range(NROW // L):
        rid_v[pl.ds(i * L, L)] = lax.iota(jnp.int32, L) + i * L

    pltpu.sync_copy(dst_hbm.at[wid], didx_v)

    def _hist(i, _):
        idx = didx_v[pl.ds(i * L, L)]
        plsc.addupdate_scatter(
            hist_v,
            [lax.shift_right_logical(idx, 7), lax.bitwise_and(idx, 127)],
            one16)
        return 0
    lax.fori_loop(0, EPW // L, _hist, 0)

    plsc.subcore_barrier()
    pltpu.sync_copy(hist_v, deg_sp.at[rid_v], add=True)
    plsc.subcore_barrier()

    @pl.when(sid == 0)
    def _():
        pltpu.sync_copy(deg_sp, deg_hbm.at[core])


def _scale_body(pt_ref, x_ref, d_ref, xs_ref):
    deg = pt_ref[:, 0:1] + pt_ref[:, 1:2] + 1.0
    dv = lax.rsqrt(deg)
    d_ref[...] = dv
    xs_ref[...] = x_ref[...] * dv


_ROWB = 400


def _scale(pt, x):
    return pl.pallas_call(
        _scale_body,
        grid=(N_NODES // _ROWB,),
        in_specs=[
            pl.BlockSpec((_ROWB, 2), lambda i: (i, 0)),
            pl.BlockSpec((_ROWB, D_IN), lambda i: (i, 0)),
        ],
        out_specs=[
            pl.BlockSpec((_ROWB, 1), lambda i: (i, 0)),
            pl.BlockSpec((_ROWB, D_IN), lambda i: (i, 0)),
        ],
        out_shape=[
            jax.ShapeDtypeStruct((N_NODES, 1), jnp.float32),
            jax.ShapeDtypeStruct((N_NODES, D_IN), jnp.float32),
        ],
    )(pt, x)


@functools.partial(
    pl.kernel,
    out_type=jax.ShapeDtypeStruct((NC, NPAD, D_IN), jnp.float32),
    mesh=_MESH,
    scratch_types=[
        pltpu.VMEM((2, 2, CHUNK), jnp.int32),
        pltpu.VMEM((2, CHUNK, D_IN), jnp.float32),
        pltpu.VMEM_SHARED((NPAD, D_IN), jnp.float32),
        pltpu.SemaphoreType.DMA,
        pltpu.SemaphoreType.DMA,
        pltpu.SemaphoreType.DMA,
        pltpu.SemaphoreType.DMA,
    ],
    compiler_params=pltpu.CompilerParams(needs_layout_passes=False),
)
def _agg_kernel(xs_hbm, idx_hbm, zeros_hbm, t_hbm,
                idx_v, rows_v, t_sp, semi0, semi1, semg0, semg1):
    core = lax.axis_index("c")
    sid = lax.axis_index("s")
    wid = sid * NC + core

    pltpu.sync_copy(zeros_hbm, t_sp.at[pl.ds(sid * RPT, RPT)])
    plsc.subcore_barrier()

    pltpu.async_copy(idx_hbm.at[wid, 0], idx_v.at[0], semi0)
    pltpu.make_async_copy(idx_hbm.at[wid, 0], idx_v.at[0], semi0).wait()
    pltpu.async_copy(idx_hbm.at[wid, 1], idx_v.at[1], semi1)
    pltpu.async_copy(xs_hbm.at[idx_v.at[0, 0]], rows_v.at[0], semg0)

    def _step(j, _):
        c0 = 2 * j
        c1 = c0 + 1
        pltpu.make_async_copy(
            idx_hbm.at[wid, c1], idx_v.at[1], semi1).wait()
        pltpu.async_copy(xs_hbm.at[idx_v.at[1, 0]], rows_v.at[1], semg1)
        pltpu.make_async_copy(
            xs_hbm.at[idx_v.at[0, 0]], rows_v.at[0], semg0).wait()
        pltpu.sync_copy(rows_v.at[0], t_sp.at[idx_v.at[0, 1]], add=True)

        @pl.when(c0 + 2 < NCH)
        def _():
            pltpu.async_copy(idx_hbm.at[wid, c0 + 2], idx_v.at[0], semi0)
            pltpu.make_async_copy(
                idx_hbm.at[wid, c0 + 2], idx_v.at[0], semi0).wait()
            pltpu.async_copy(xs_hbm.at[idx_v.at[0, 0]], rows_v.at[0], semg0)

        pltpu.make_async_copy(
            xs_hbm.at[idx_v.at[1, 0]], rows_v.at[1], semg1).wait()
        pltpu.sync_copy(rows_v.at[1], t_sp.at[idx_v.at[1, 1]], add=True)

        @pl.when(c1 + 2 < NCH)
        def _():
            pltpu.async_copy(idx_hbm.at[wid, c1 + 2], idx_v.at[1], semi1)
        return 0
    lax.fori_loop(0, NCH // 2, _step, 0)

    plsc.subcore_barrier()
    pltpu.sync_copy(t_sp.at[pl.ds(sid * RPT, RPT)],
                    t_hbm.at[core, pl.ds(sid * RPT, RPT)])


def _out_body(t0_ref, t1_ref, xs_ref, d_ref, wmu_ref, wls_ref,
              bmu_ref, bls_ref, mu_ref, ls_ref):
    agg = (t0_ref[0] + t1_ref[0] + xs_ref[...]) * d_ref[...]
    mu_ref[...] = jnp.dot(agg, wmu_ref[...],
                          preferred_element_type=jnp.float32,
                          precision=lax.Precision.HIGHEST) + bmu_ref[...]
    ls_ref[...] = jnp.dot(agg, wls_ref[...],
                          preferred_element_type=jnp.float32,
                          precision=lax.Precision.HIGHEST) + bls_ref[...]


def _outputs(t, xs, d, W_mu, b_mu, W_logstd, b_logstd):
    return pl.pallas_call(
        _out_body,
        grid=(N_NODES // _ROWB,),
        in_specs=[
            pl.BlockSpec((1, _ROWB, D_IN), lambda i: (0, i, 0)),
            pl.BlockSpec((1, _ROWB, D_IN), lambda i: (1, i, 0)),
            pl.BlockSpec((_ROWB, D_IN), lambda i: (i, 0)),
            pl.BlockSpec((_ROWB, 1), lambda i: (i, 0)),
            pl.BlockSpec((D_IN, D_OUT), lambda i: (0, 0)),
            pl.BlockSpec((D_IN, D_OUT), lambda i: (0, 0)),
            pl.BlockSpec((1, D_OUT), lambda i: (0, 0)),
            pl.BlockSpec((1, D_OUT), lambda i: (0, 0)),
        ],
        out_specs=[
            pl.BlockSpec((_ROWB, D_OUT), lambda i: (i, 0)),
            pl.BlockSpec((_ROWB, D_OUT), lambda i: (i, 0)),
        ],
        out_shape=[
            jax.ShapeDtypeStruct((N_NODES, D_OUT), jnp.float32),
            jax.ShapeDtypeStruct((N_NODES, D_OUT), jnp.float32),
        ],
    )(t, t, xs, d, W_mu, W_logstd,
      b_mu.reshape(1, D_OUT), b_logstd.reshape(1, D_OUT))


def kernel(x, edge_index, W_mu, b_mu, W_logstd, b_logstd):
    src = edge_index[0].astype(jnp.int32)
    dst = edge_index[1].astype(jnp.int32)

    zeros_row = jnp.zeros((NROW, 128), jnp.float32)
    partial = _deg_kernel(dst.reshape(NW, EPW), zeros_row)
    pt = jnp.transpose(partial.reshape(NC, NPAD))[:N_NODES]
    d, xs = _scale(pt, x)

    pad = EPWP - EPW
    src_p = jnp.concatenate(
        [src.reshape(NW, EPW), jnp.zeros((NW, pad), jnp.int32)], axis=1)
    dst_p = jnp.concatenate(
        [dst.reshape(NW, EPW), jnp.full((NW, pad), TRASH, jnp.int32)], axis=1)
    idx2 = jnp.stack([src_p.reshape(NW, NCH, CHUNK),
                      dst_p.reshape(NW, NCH, CHUNK)], axis=2)

    zeros_blk = jnp.zeros((RPT, D_IN), jnp.float32)
    t = _agg_kernel(xs, idx2, zeros_blk)
    mu, logstd = _outputs(t, xs, d, W_mu, b_mu, W_logstd, b_logstd)
    return (mu, logstd)

# --- scband reference (transcript-rebuilt; emitter-appended) ---
"""Pipeline reference for scband-variational-linear-encoder-57071525429453 (READ-ONLY COPY).

The authoritative reference and input builder live on the scoring server;
editing this copy changes nothing except your own understanding.
"""

import jax, jax.numpy as jnp
import numpy as np

N_NODES = 10000
D_IN = 128
D_OUT = 128
N_EDGES = 320000


def _gcn_conv(x, W, b, src, dst, n_nodes):
    # x' = x @ W  (PyG GCNConv applies linear transform first)
    xw = x @ W
    # add self loops
    loop = jnp.arange(n_nodes, dtype=src.dtype)
    src2 = jnp.concatenate([src, loop])
    dst2 = jnp.concatenate([dst, loop])
    # symmetric normalization: deg computed on dst with self-loops, edge weight 1
    ones = jnp.ones(src2.shape[0], dtype=x.dtype)
    deg = jax.ops.segment_sum(ones, dst2, num_segments=n_nodes)
    deg_inv_sqrt = jnp.where(deg > 0, jax.lax.rsqrt(jnp.maximum(deg, 1e-12)), 0.0)
    norm = deg_inv_sqrt[src2] * deg_inv_sqrt[dst2]
    # message = norm * x'[src]; aggregate = scatter-add onto dst
    msg = xw[src2] * norm[:, None]
    out = jax.ops.segment_sum(msg, dst2, num_segments=n_nodes)
    return out + b


def setup_inputs(seed: int = 0) -> dict:
    key = jax.random.key(seed)
    k1, k2, k3, k4, k5, k6 = jax.random.split(key, 6)
    x = jax.random.normal(k1, (N_NODES, D_IN), dtype=jnp.float32)
    edge_index = jax.random.randint(k2, (2, N_EDGES), 0, N_NODES, dtype=jnp.int64)
    # glorot init for GCN weights
    scale = jnp.sqrt(6.0 / (D_IN + D_OUT))
    W_mu = jax.random.uniform(k3, (D_IN, D_OUT), minval=-scale, maxval=scale, dtype=jnp.float32)
    b_mu = jnp.zeros((D_OUT,), dtype=jnp.float32)
    W_logstd = jax.random.uniform(k4, (D_IN, D_OUT), minval=-scale, maxval=scale, dtype=jnp.float32)
    b_logstd = jnp.zeros((D_OUT,), dtype=jnp.float32)
    return {"x": x, "edge_index": edge_index, "W_mu": W_mu, "b_mu": b_mu, "W_logstd": W_logstd, "b_logstd": b_logstd}


def reference(x, edge_index, W_mu, b_mu, W_logstd, b_logstd):
    src = edge_index[0]
    dst = edge_index[1]
    mu = _gcn_conv(x, W_mu, b_mu, src, dst, N_NODES)
    logstd = _gcn_conv(x, W_logstd, b_logstd, src, dst, N_NODES)
    return (mu, logstd)

if __name__ == "__main__":
    import jax
    _d = setup_inputs()
    print(jax.jit(kernel)(*tuple(_d.values())))

</pallas_src>

<mosaic_0001>
#map = affine_map<(d0, d1) -> (0, 0)>
#map1 = affine_map<(d0, d1) -> (0, 0, 0)>
module attributes {stable_mosaic.version = 14 : i64} {
  func.func @_deg_kernel(%arg0: i32, %arg1: i32, %arg2: memref<32x10000xi32, #tpu.memory_space<hbm>>, %arg3: memref<80x128xf32, #tpu.memory_space<hbm>>, %arg4: memref<2x80x128xf32, #tpu.memory_space<hbm>>, %arg5: memref<10000xi32, #tpu.memory_space<vmem>>, %arg6: memref<80x128xf32, #tpu.memory_space<vmem>>, %arg7: memref<80xi32, #tpu.memory_space<vmem>>, %arg8: memref<80x128xf32, #tpu.memory_space<vmem_shared>>) attributes {dimension_semantics = [#tpu.dimension_semantics<core_parallel>, #tpu.dimension_semantics<subcore_parallel>], iteration_bounds = array<i64: 2, 16>, scalar_prefetch = 0 : i64, scratch_operands = 4 : i64, tpu.core_type = #tpu.core_type<sc_vector_subcore>, window_params = [{transform_indices = #map}, {transform_indices = #map}, {transform_indices = #map1}]} {
    %mul3A = arith.constant 2 : i32
    %mul3A_0 = arith.muli %arg1, %mul3A : i32
    %add3A = arith.addi %mul3A_0, %arg0 : i32
    %broadcast_in_dim3A = arith.constant 1.000000e+00 : f32
    %broadcast_in_dim3A_1 = vector.broadcast %broadcast_in_dim3A : f32 to vector<16xf32>
    "tpu.region"() ({
      %run_scoped3A = tpu.sem_alloc : memref<!tpu.dma_semaphore, #tpu.memory_space<semaphore_mem>>
      tpu.enqueue_dma source(%arg3 : memref<80x128xf32, #tpu.memory_space<hbm>>) target(%arg6 : memref<80x128xf32, #tpu.memory_space<vmem>>) target_semaphore(%run_scoped3A : memref<!tpu.dma_semaphore, #tpu.memory_space<semaphore_mem>>)
      tpu.wait_dma2 semaphore(%run_scoped3A : memref<!tpu.dma_semaphore, #tpu.memory_space<semaphore_mem>>) src(%arg3 : memref<80x128xf32, #tpu.memory_space<hbm>>) dst(%arg6 : memref<80x128xf32, #tpu.memory_space<vmem>>)
      tpu.yield
    }) : () -> ()
    %eq3A = arith.constant 0 : i32
    %eq3A_2 = arith.cmpi eq, %arg1, %eq3A : i32
    %convert_element_type3A = arith.extui %eq3A_2 : i1 to i32
    %cond3A = arith.constant 0 : i32
    %cond3A_3 = arith.cmpi ne, %convert_element_type3A, %cond3A : i32
    scf.if %cond3A_3 {
      "tpu.region"() ({
        %run_scoped3A = tpu.sem_alloc : memref<!tpu.dma_semaphore, #tpu.memory_space<semaphore_mem>>
        tpu.enqueue_dma source(%arg3 : memref<80x128xf32, #tpu.memory_space<hbm>>) target(%arg8 : memref<80x128xf32, #tpu.memory_space<vmem_shared>>) target_semaphore(%run_scoped3A : memref<!tpu.dma_semaphore, #tpu.memory_space<semaphore_mem>>)
        tpu.wait_dma2 semaphore(%run_scoped3A : memref<!tpu.dma_semaphore, #tpu.memory_space<semaphore_mem>>) src(%arg3 : memref<80x128xf32, #tpu.memory_space<hbm>>) dst(%arg8 : memref<80x128xf32, #tpu.memory_space<vmem_shared>>)
        tpu.yield
      }) : () -> ()
    } else {
    }
    %iota3A = tpu.iota {dimensions = array<i32: 0>} : vector<16xi32>
    %add3A_4 = arith.constant 0 : i32
    %add3A_5 = vector.broadcast %add3A_4 : i32 to vector<16xi32>
    %add3A_6 = arith.addi %iota3A, %add3A_5 : vector<16xi32>
    %swap3A = arith.constant 0 : index
    %swap3A_7 = tpu.vector_load %arg7[%swap3A] {strides = array<i32>} : memref<80xi32, #tpu.memory_space<vmem>>, vector<16xi32>,
    tpu.vector_store %arg7[%swap3A], %add3A_6 {strides = array<i32>} : memref<80xi32, #tpu.memory_space<vmem>>, vector<16xi32>,
    %iota3A_8 = tpu.iota {dimensions = array<i32: 0>} : vector<16xi32>
    %add3A_9 = arith.constant 16 : i32
    %add3A_10 = vector.broadcast %add3A_9 : i32 to vector<16xi32>
    %add3A_11 = arith.addi %iota3A_8, %add3A_10 : vector<16xi32>
    %swap3A_12 = arith.constant 16 : index
    %swap3A_13 = tpu.vector_load %arg7[%swap3A_12] {strides = array<i32>} : memref<80xi32, #tpu.memory_space<vmem>>, vector<16xi32>,
    tpu.vector_store %arg7[%swap3A_12], %add3A_11 {strides = array<i32>} : memref<80xi32, #tpu.memory_space<vmem>>, vector<16xi32>,
    %iota3A_14 = tpu.iota {dimensions = array<i32: 0>} : vector<16xi32>
    %add3A_15 = arith.constant 32 : i32
    %add3A_16 = vector.broadcast %add3A_15 : i32 to vector<16xi32>
    %add3A_17 = arith.addi %iota3A_14, %add3A_16 : vector<16xi32>
    %swap3A_18 = arith.constant 32 : index
    %swap3A_19 = tpu.vector_load %arg7[%swap3A_18] {strides = array<i32>} : memref<80xi32, #tpu.memory_space<vmem>>, vector<16xi32>,
    tpu.vector_store %arg7[%swap3A_18], %add3A_17 {strides = array<i32>} : memref<80xi32, #tpu.memory_space<vmem>>, vector<16xi32>,
    %iota3A_20 = tpu.iota {dimensions = array<i32: 0>} : vector<16xi32>
    %add3A_21 = arith.constant 48 : i32
    %add3A_22 = vector.broadcast %add3A_21 : i32 to vector<16xi32>
    %add3A_23 = arith.addi %iota3A_20, %add3A_22 : vector<16xi32>
    %swap3A_24 = arith.constant 48 : index
    %swap3A_25 = tpu.vector_load %arg7[%swap3A_24] {strides = array<i32>} : memref<80xi32, #tpu.memory_space<vmem>>, vector<16xi32>,
    tpu.vector_store %arg7[%swap3A_24], %add3A_23 {strides = array<i32>} : memref<80xi32, #tpu.memory_space<vmem>>, vector<16xi32>,
    %iota3A_26 = tpu.iota {dimensions = array<i32: 0>} : vector<16xi32>
    %add3A_27 = arith.constant 64 : i32
    %add3A_28 = vector.broadcast %add3A_27 : i32 to vector<16xi32>
    %add3A_29 = arith.addi %iota3A_26, %add3A_28 : vector<16xi32>
    %swap3A_30 = arith.constant 64 : index
    %swap3A_31 = tpu.vector_load %arg7[%swap3A_30] {strides = array<i32>} : memref<80xi32, #tpu.memory_space<vmem>>, vector<16xi32>,
    tpu.vector_store %arg7[%swap3A_30], %add3A_29 {strides = array<i32>} : memref<80xi32, #tpu.memory_space<vmem>>, vector<16xi32>,
    "tpu.region"() ({
      %run_scoped3A = tpu.sem_alloc : memref<!tpu.dma_semaphore, #tpu.memory_space<semaphore_mem>>
      %dma_start3A = arith.constant 0 : i32
      %dma_start3A_44 = tpu.memref_slice %arg2[%add3A, %dma_start3A] : memref<32x10000xi32, #tpu.memory_space<hbm>> -> memref<1x10000xi32, #tpu.memory_space<hbm>>
      %dma_start3A_45 = tpu.memref_squeeze %dma_start3A_44 : memref<1x10000xi32, #tpu.memory_space<hbm>> -> memref<10000xi32, #tpu.memory_space<hbm>>
      %dma_start3A_46 = arith.constant 0 : i32
      %dma_start3A_47 = tpu.memref_slice %arg2[%add3A, %dma_start3A_46] : memref<32x10000xi32, #tpu.memory_space<hbm>> -> memref<1x10000xi32, #tpu.memory_space<hbm>>
      %dma_start3A_48 = tpu.memref_squeeze %dma_start3A_47 : memref<1x10000xi32, #tpu.memory_space<hbm>> -> memref<10000xi32, #tpu.memory_space<hbm>>
      tpu.enqueue_dma source(%dma_start3A_48 : memref<10000xi32, #tpu.memory_space<hbm>>) target(%arg5 : memref<10000xi32, #tpu.memory_space<vmem>>) target_semaphore(%run_scoped3A : memref<!tpu.dma_semaphore, #tpu.memory_space<semaphore_mem>>)
      %dma_wait3A = arith.constant 0 : i32
      %dma_wait3A_49 = tpu.memref_slice %arg2[%add3A, %dma_wait3A] : memref<32x10000xi32, #tpu.memory_space<hbm>> -> memref<1x10000xi32, #tpu.memory_space<hbm>>
      %dma_wait3A_50 = tpu.memref_squeeze %dma_wait3A_49 : memref<1x10000xi32, #tpu.memory_space<hbm>> -> memref<10000xi32, #tpu.memory_space<hbm>>
      %dma_wait3A_51 = arith.constant 0 : i32
      %dma_wait3A_52 = tpu.memref_slice %arg2[%add3A, %dma_wait3A_51] : memref<32x10000xi32, #tpu.memory_space<hbm>> -> memref<1x10000xi32, #tpu.memory_space<hbm>>
      %dma_wait3A_53 = tpu.memref_squeeze %dma_wait3A_52 : memref<1x10000xi32, #tpu.memory_space<hbm>> -> memref<10000xi32, #tpu.memory_space<hbm>>
      tpu.wait_dma2 semaphore(%run_scoped3A : memref<!tpu.dma_semaphore, #tpu.memory_space<semaphore_mem>>) src(%dma_wait3A_53 : memref<10000xi32, #tpu.memory_space<hbm>>) dst(%arg5 : memref<10000xi32, #tpu.memory_space<vmem>>)
      tpu.yield
    }) : () -> ()
    %scan3A = arith.constant 0 : i32
    %scan3A_32 = arith.constant 0 : i32
    %scan3A_33 = arith.constant 625 : i32
    %scan3A_34 = arith.addi %scan3A_32, %scan3A_33 : i32
    %scan3A_35 = arith.constant 1 : i32
    %scan3A_36 = scf.for %scan3A_44 = %scan3A_32 to %scan3A_34 step %scan3A_35 iter_args(%scan3A_45 = %scan3A) -> (i32)  : i32 {
      %mul3A_46 = arith.constant 16 : i32
      %mul3A_47 = arith.muli %scan3A_44, %mul3A_46 : i32
      %get3A = arith.index_cast %mul3A_47 : i32 to index
      %get3A_48 = tpu.vector_load %arg5[%get3A] {strides = array<i32>} : memref<10000xi32, #tpu.memory_space<vmem>>, vector<16xi32>,
      %shift_right_logical3A = arith.constant 7 : i32
      %shift_right_logical3A_49 = vector.broadcast %shift_right_logical3A : i32 to vector<16xi32>
      %shift_right_logical3A_50 = arith.shrui %get3A_48, %shift_right_logical3A_49 : vector<16xi32>
      %and3A = arith.constant 127 : i32
      %and3A_51 = vector.broadcast %and3A : i32 to vector<16xi32>
      %and3A_52 = arith.andi %get3A_48, %and3A_51 : vector<16xi32>
      tpu.vector_store_idx %arg6[%shift_right_logical3A_50, %and3A_52], %broadcast_in_dim3A_1 {add = true} : memref<80x128xf32, #tpu.memory_space<vmem>>[vector<16xi32>, vector<16xi32>], vector<16xf32>,
      %scan3A_53 = arith.constant 0 : i32
      scf.yield %scan3A_53 : i32
    }
    %scan3A_37 = arith.constant 625 : i32
    %barrier3A = arith.constant 0 : index
    tpu.barrier barrier_id(%barrier3A)
    "tpu.region"() ({
      %run_scoped3A = tpu.sem_alloc : memref<!tpu.dma_semaphore, #tpu.memory_space<semaphore_mem>>
      %dma_start3A = arith.constant 0 : i32
      %dma_start3A_44 = arith.constant 0 : i32
      %dma_start3A_45 = tpu.memref_slice %arg8[%dma_start3A, %dma_start3A_44] : memref<80x128xf32, #tpu.memory_space<vmem_shared>> -> memref<80x128xf32, #tpu.memory_space<vmem_shared>>
      tpu.enqueue_indirect_dma source(%arg6 : memref<80x128xf32, #tpu.memory_space<vmem>>) target(%dma_start3A_45 : memref<80x128xf32, #tpu.memory_space<vmem_shared>>) offsets(%arg7 : memref<80xi32, #tpu.memory_space<vmem>>) semaphore(%run_scoped3A : memref<!tpu.dma_semaphore, #tpu.memory_space<semaphore_mem>>) {add = true}
      %dma_wait3A = arith.constant 0 : i32
      %dma_wait3A_46 = arith.constant 0 : i32
      %dma_wait3A_47 = tpu.memref_slice %arg8[%dma_wait3A, %dma_wait3A_46] : memref<80x128xf32, #tpu.memory_space<vmem_shared>> -> memref<80x128xf32, #tpu.memory_space<vmem_shared>>
      tpu.wait_indirect_dma semaphore(%run_scoped3A : memref<!tpu.dma_semaphore, #tpu.memory_space<semaphore_mem>>) src(%arg6 : memref<80x128xf32, #tpu.memory_space<vmem>>) dst(%dma_wait3A_47 : memref<80x128xf32, #tpu.memory_space<vmem_shared>>)
      tpu.yield
    }) : () -> ()
    %barrier3A_38 = arith.constant 0 : index
    tpu.barrier barrier_id(%barrier3A_38)
    %eq3A_39 = arith.constant 0 : i32
    %eq3A_40 = arith.cmpi eq, %arg1, %eq3A_39 : i32
    %convert_element_type3A_41 = arith.extui %eq3A_40 : i1 to i32
    %cond3A_42 = arith.constant 0 : i32
    %cond3A_43 = arith.cmpi ne, %convert_element_type3A_41, %cond3A_42 : i32
    scf.if %cond3A_43 {
      "tpu.region"() ({
        %run_scoped3A = tpu.sem_alloc : memref<!tpu.dma_semaphore, #tpu.memory_space<semaphore_mem>>
        %dma_start3A = arith.constant 0 : i32
        %dma_start3A_44 = arith.constant 0 : i32
        %dma_start3A_45 = tpu.memref_slice %arg4[%arg0, %dma_start3A, %dma_start3A_44] : memref<2x80x128xf32, #tpu.memory_space<hbm>> -> memref<1x80x128xf32, #tpu.memory_space<hbm>>
        %dma_start3A_46 = tpu.memref_squeeze %dma_start3A_45 : memref<1x80x128xf32, #tpu.memory_space<hbm>> -> memref<80x128xf32, #tpu.memory_space<hbm>>
        tpu.enqueue_dma source(%arg8 : memref<80x128xf32, #tpu.memory_space<vmem_shared>>) target(%dma_start3A_46 : memref<80x128xf32, #tpu.memory_space<hbm>>) target_semaphore(%run_scoped3A : memref<!tpu.dma_semaphore, #tpu.memory_space<semaphore_mem>>)
        %dma_wait3A = arith.constant 0 : i32
        %dma_wait3A_47 = arith.constant 0 : i32
        %dma_wait3A_48 = tpu.memref_slice %arg4[%arg0, %dma_wait3A, %dma_wait3A_47] : memref<2x80x128xf32, #tpu.memory_space<hbm>> -> memref<1x80x128xf32, #tpu.memory_space<hbm>>
        %dma_wait3A_49 = tpu.memref_squeeze %dma_wait3A_48 : memref<1x80x128xf32, #tpu.memory_space<hbm>> -> memref<80x128xf32, #tpu.memory_space<hbm>>
        tpu.wait_dma2 semaphore(%run_scoped3A : memref<!tpu.dma_semaphore, #tpu.memory_space<semaphore_mem>>) src(%arg8 : memref<80x128xf32, #tpu.memory_space<vmem_shared>>) dst(%dma_wait3A_49 : memref<80x128xf32, #tpu.memory_space<hbm>>)
        tpu.yield
      }) : () -> ()
    } else {
    }
    return
  }
}

#map = affine_map<(d0, d1) -> (0, 0)>
#map1 = affine_map<(d0, d1) -> (0, 0, 0, 0)>
#map2 = affine_map<(d0, d1) -> (0, 0, 0)>
module attributes {stable_mosaic.version = 14 : i64} {
  func.func @_agg_kernel(%arg0: i32, %arg1: i32, %arg2: memref<10000x128xf32, #tpu.memory_space<hbm>>, %arg3: memref<32x126x2x80xi32, #tpu.memory_space<hbm>>, %arg4: memref<640x128xf32, #tpu.memory_space<hbm>>, %arg5: memref<2x10240x128xf32, #tpu.memory_space<hbm>>, %arg6: memref<2x2x80xi32, #tpu.memory_space<vmem>>, %arg7: memref<2x80x128xf32, #tpu.memory_space<vmem>>, %arg8: memref<10240x128xf32, #tpu.memory_space<vmem_shared>>, %arg9: memref<!tpu.dma_semaphore, #tpu.memory_space<semaphore_mem>>, %arg10: memref<!tpu.dma_semaphore, #tpu.memory_space<semaphore_mem>>, %arg11: memref<!tpu.dma_semaphore, #tpu.memory_space<semaphore_mem>>, %arg12: memref<!tpu.dma_semaphore, #tpu.memory_space<semaphore_mem>>) attributes {dimension_semantics = [#tpu.dimension_semantics<core_parallel>, #tpu.dimension_semantics<subcore_parallel>], iteration_bounds = array<i64: 2, 16>, scalar_prefetch = 0 : i64, scratch_operands = 7 : i64, tpu.core_type = #tpu.core_type<sc_vector_subcore>, window_params = [{transform_indices = #map}, {transform_indices = #map1}, {transform_indices = #map}, {transform_indices = #map2}]} {
    %mul3A = arith.constant 2 : i32
    %mul3A_0 = arith.muli %arg1, %mul3A : i32
    %add3A = arith.addi %mul3A_0, %arg0 : i32
    %mul3A_1 = arith.constant 640 : i32
    %mul3A_2 = arith.muli %arg1, %mul3A_1 : i32
    "tpu.region"() ({
      %run_scoped3A = tpu.sem_alloc : memref<!tpu.dma_semaphore, #tpu.memory_space<semaphore_mem>>
      %dma_start3A_79 = arith.constant 0 : i32
      %dma_start3A_80 = tpu.memref_slice %arg8[%mul3A_2, %dma_start3A_79] : memref<10240x128xf32, #tpu.memory_space<vmem_shared>> -> memref<640x128xf32, #tpu.memory_space<vmem_shared>>
      tpu.enqueue_dma source(%arg4 : memref<640x128xf32, #tpu.memory_space<hbm>>) target(%dma_start3A_80 : memref<640x128xf32, #tpu.memory_space<vmem_shared>>) target_semaphore(%run_scoped3A : memref<!tpu.dma_semaphore, #tpu.memory_space<semaphore_mem>>)
      %dma_wait3A_81 = arith.constant 0 : i32
      %dma_wait3A_82 = tpu.memref_slice %arg8[%mul3A_2, %dma_wait3A_81] : memref<10240x128xf32, #tpu.memory_space<vmem_shared>> -> memref<640x128xf32, #tpu.memory_space<vmem_shared>>
      tpu.wait_dma2 semaphore(%run_scoped3A : memref<!tpu.dma_semaphore, #tpu.memory_space<semaphore_mem>>) src(%arg4 : memref<640x128xf32, #tpu.memory_space<hbm>>) dst(%dma_wait3A_82 : memref<640x128xf32, #tpu.memory_space<vmem_shared>>)
      tpu.yield
    }) : () -> ()
    %barrier3A = arith.constant 0 : index
    tpu.barrier barrier_id(%barrier3A)
    %dma_start3A = arith.constant 0 : i32
    %dma_start3A_3 = arith.constant 0 : i32
    %dma_start3A_4 = arith.constant 0 : i32
    %dma_start3A_5 = arith.constant 0 : i32
    %dma_start3A_6 = tpu.memref_slice %arg6[%dma_start3A_3, %dma_start3A_4, %dma_start3A_5] : memref<2x2x80xi32, #tpu.memory_space<vmem>> -> memref<1x2x80xi32, #tpu.memory_space<vmem>>
    %dma_start3A_7 = tpu.memref_squeeze %dma_start3A_6 : memref<1x2x80xi32, #tpu.memory_space<vmem>> -> memref<2x80xi32, #tpu.memory_space<vmem>>
    %dma_start3A_8 = arith.constant 0 : i32
    %dma_start3A_9 = arith.constant 0 : i32
    %dma_start3A_10 = tpu.memref_slice %arg3[%add3A, %dma_start3A, %dma_start3A_8, %dma_start3A_9] : memref<32x126x2x80xi32, #tpu.memory_space<hbm>> -> memref<1x1x2x80xi32, #tpu.memory_space<hbm>>
    %dma_start3A_11 = tpu.memref_squeeze %dma_start3A_10 : memref<1x1x2x80xi32, #tpu.memory_space<hbm>> -> memref<2x80xi32, #tpu.memory_space<hbm>>
    %dma_start3A_12 = arith.constant 0 : i32
    %dma_start3A_13 = arith.constant 0 : i32
    %dma_start3A_14 = tpu.memref_slice %arg6[%dma_start3A_3, %dma_start3A_12, %dma_start3A_13] : memref<2x2x80xi32, #tpu.memory_space<vmem>> -> memref<1x2x80xi32, #tpu.memory_space<vmem>>
    %dma_start3A_15 = tpu.memref_squeeze %dma_start3A_14 : memref<1x2x80xi32, #tpu.memory_space<vmem>> -> memref<2x80xi32, #tpu.memory_space<vmem>>
    %dma_start3A_16 = arith.constant 0 : i32
    %dma_start3A_17 = arith.constant 0 : i32
    %dma_start3A_18 = tpu.memref_slice %arg3[%add3A, %dma_start3A, %dma_start3A_16, %dma_start3A_17] : memref<32x126x2x80xi32, #tpu.memory_space<hbm>> -> memref<1x1x2x80xi32, #tpu.memory_space<hbm>>
    %dma_start3A_19 = tpu.memref_squeeze %dma_start3A_18 : memref<1x1x2x80xi32, #tpu.memory_space<hbm>> -> memref<2x80xi32, #tpu.memory_space<hbm>>
    tpu.enqueue_dma source(%dma_start3A_19 : memref<2x80xi32, #tpu.memory_space<hbm>>) target(%dma_start3A_15 : memref<2x80xi32, #tpu.memory_space<vmem>>) target_semaphore(%arg9 : memref<!tpu.dma_semaphore, #tpu.memory_space<semaphore_mem>>)
    %dma_wait3A = arith.constant 0 : i32
    %dma_wait3A_20 = arith.constant 0 : i32
    %dma_wait3A_21 = arith.constant 0 : i32
    %dma_wait3A_22 = arith.constant 0 : i32
    %dma_wait3A_23 = tpu.memref_slice %arg6[%dma_wait3A_20, %dma_wait3A_21, %dma_wait3A_22] : memref<2x2x80xi32, #tpu.memory_space<vmem>> -> memref<1x2x80xi32, #tpu.memory_space<vmem>>
    %dma_wait3A_24 = tpu.memref_squeeze %dma_wait3A_23 : memref<1x2x80xi32, #tpu.memory_space<vmem>> -> memref<2x80xi32, #tpu.memory_space<vmem>>
    %dma_wait3A_25 = arith.constant 0 : i32
    %dma_wait3A_26 = arith.constant 0 : i32
    %dma_wait3A_27 = tpu.memref_slice %arg3[%add3A, %dma_wait3A, %dma_wait3A_25, %dma_wait3A_26] : memref<32x126x2x80xi32, #tpu.memory_space<hbm>> -> memref<1x1x2x80xi32, #tpu.memory_space<hbm>>
    %dma_wait3A_28 = tpu.memref_squeeze %dma_wait3A_27 : memref<1x1x2x80xi32, #tpu.memory_space<hbm>> -> memref<2x80xi32, #tpu.memory_space<hbm>>
    %dma_wait3A_29 = arith.constant 0 : i32
    %dma_wait3A_30 = arith.constant 0 : i32
    %dma_wait3A_31 = tpu.memref_slice %arg6[%dma_wait3A_20, %dma_wait3A_29, %dma_wait3A_30] : memref<2x2x80xi32, #tpu.memory_space<vmem>> -> memref<1x2x80xi32, #tpu.memory_space<vmem>>
    %dma_wait3A_32 = tpu.memref_squeeze %dma_wait3A_31 : memref<1x2x80xi32, #tpu.memory_space<vmem>> -> memref<2x80xi32, #tpu.memory_space<vmem>>
    %dma_wait3A_33 = arith.constant 0 : i32
    %dma_wait3A_34 = arith.constant 0 : i32
    %dma_wait3A_35 = tpu.memref_slice %arg3[%add3A, %dma_wait3A, %dma_wait3A_33, %dma_wait3A_34] : memref<32x126x2x80xi32, #tpu.memory_space<hbm>> -> memref<1x1x2x80xi32, #tpu.memory_space<hbm>>
    %dma_wait3A_36 = tpu.memref_squeeze %dma_wait3A_35 : memref<1x1x2x80xi32, #tpu.memory_space<hbm>> -> memref<2x80xi32, #tpu.memory_space<hbm>>
    tpu.wait_dma2 semaphore(%arg9 : memref<!tpu.dma_semaphore, #tpu.memory_space<semaphore_mem>>) src(%dma_wait3A_36 : memref<2x80xi32, #tpu.memory_space<hbm>>) dst(%dma_wait3A_32 : memref<2x80xi32, #tpu.memory_space<vmem>>)
    %dma_start3A_37 = arith.constant 1 : i32
    %dma_start3A_38 = arith.constant 1 : i32
    %dma_start3A_39 = arith.constant 0 : i32
    %dma_start3A_40 = arith.constant 0 : i32
    %dma_start3A_41 = tpu.memref_slice %arg6[%dma_start3A_38, %dma_start3A_39, %dma_start3A_40] : memref<2x2x80xi32, #tpu.memory_space<vmem>> -> memref<1x2x80xi32, #tpu.memory_space<vmem>>
    %dma_start3A_42 = tpu.memref_squeeze %dma_start3A_41 : memref<1x2x80xi32, #tpu.memory_space<vmem>> -> memref<2x80xi32, #tpu.memory_space<vmem>>
    %dma_start3A_43 = arith.constant 0 : i32
    %dma_start3A_44 = arith.constant 0 : i32
    %dma_start3A_45 = tpu.memref_slice %arg3[%add3A, %dma_start3A_37, %dma_start3A_43, %dma_start3A_44] : memref<32x126x2x80xi32, #tpu.memory_space<hbm>> -> memref<1x1x2x80xi32, #tpu.memory_space<hbm>>
    %dma_start3A_46 = tpu.memref_squeeze %dma_start3A_45 : memref<1x1x2x80xi32, #tpu.memory_space<hbm>> -> memref<2x80xi32, #tpu.memory_space<hbm>>
    %dma_start3A_47 = arith.constant 0 : i32
    %dma_start3A_48 = arith.constant 0 : i32
    %dma_start3A_49 = tpu.memref_slice %arg6[%dma_start3A_38, %dma_start3A_47, %dma_start3A_48] : memref<2x2x80xi32, #tpu.memory_space<vmem>> -> memref<1x2x80xi32, #tpu.memory_space<vmem>>
    %dma_start3A_50 = tpu.memref_squeeze %dma_start3A_49 : memref<1x2x80xi32, #tpu.memory_space<vmem>> -> memref<2x80xi32, #tpu.memory_space<vmem>>
    %dma_start3A_51 = arith.constant 0 : i32
    %dma_start3A_52 = arith.constant 0 : i32
    %dma_start3A_53 = tpu.memref_slice %arg3[%add3A, %dma_start3A_37, %dma_start3A_51, %dma_start3A_52] : memref<32x126x2x80xi32, #tpu.memory_space<hbm>> -> memref<1x1x2x80xi32, #tpu.memory_space<hbm>>
    %dma_start3A_54 = tpu.memref_squeeze %dma_start3A_53 : memref<1x1x2x80xi32, #tpu.memory_space<hbm>> -> memref<2x80xi32, #tpu.memory_space<hbm>>
    tpu.enqueue_dma source(%dma_start3A_54 : memref<2x80xi32, #tpu.memory_space<hbm>>) target(%dma_start3A_50 : memref<2x80xi32, #tpu.memory_space<vmem>>) target_semaphore(%arg10 : memref<!tpu.dma_semaphore, #tpu.memory_space<semaphore_mem>>)
    %dma_start3A_55 = arith.constant 0 : i32
    %dma_start3A_56 = arith.constant 0 : i32
    %dma_start3A_57 = arith.constant 0 : i32
    %dma_start3A_58 = arith.constant 0 : i32
    %dma_start3A_59 = arith.constant 0 : i32
    %dma_start3A_60 = tpu.memref_slice %arg7[%dma_start3A_57, %dma_start3A_58, %dma_start3A_59] : memref<2x80x128xf32, #tpu.memory_space<vmem>> -> memref<1x80x128xf32, #tpu.memory_space<vmem>>
    %dma_start3A_61 = tpu.memref_squeeze %dma_start3A_60 : memref<1x80x128xf32, #tpu.memory_space<vmem>> -> memref<80x128xf32, #tpu.memory_space<vmem>>
    %dma_start3A_62 = arith.constant 0 : i32
    %dma_start3A_63 = tpu.memref_slice %arg6[%dma_start3A_55, %dma_start3A_56, %dma_start3A_62] : memref<2x2x80xi32, #tpu.memory_space<vmem>> -> memref<1x1x80xi32, #tpu.memory_space<vmem>>
    %dma_start3A_64 = tpu.memref_squeeze %dma_start3A_63 : memref<1x1x80xi32, #tpu.memory_space<vmem>> -> memref<80xi32, #tpu.memory_space<vmem>>
    %dma_start3A_65 = arith.constant 0 : i32
    %dma_start3A_66 = arith.constant 0 : i32
    %dma_start3A_67 = tpu.memref_slice %arg2[%dma_start3A_65, %dma_start3A_66] : memref<10000x128xf32, #tpu.memory_space<hbm>> -> memref<10000x128xf32, #tpu.memory_space<hbm>>
    tpu.enqueue_indirect_dma source(%dma_start3A_67 : memref<10000x128xf32, #tpu.memory_space<hbm>>) target(%dma_start3A_61 : memref<80x128xf32, #tpu.memory_space<vmem>>) offsets(%dma_start3A_64 : memref<80xi32, #tpu.memory_space<vmem>>) semaphore(%arg11 : memref<!tpu.dma_semaphore, #tpu.memory_space<semaphore_mem>>)
    %scan3A = arith.constant 0 : i32
    %scan3A_68 = arith.constant 0 : i32
    %scan3A_69 = arith.constant 63 : i32
    %scan3A_70 = arith.addi %scan3A_68, %scan3A_69 : i32
    %scan3A_71 = arith.constant 1 : i32
    %scan3A_72 = scf.for %scan3A_79 = %scan3A_68 to %scan3A_70 step %scan3A_71 iter_args(%scan3A_80 = %scan3A) -> (i32)  : i32 {
      %mul3A_81 = arith.constant 2 : i32
      %mul3A_82 = arith.muli %mul3A_81, %scan3A_79 : i32
      %add3A_83 = arith.constant 1 : i32
      %add3A_84 = arith.addi %mul3A_82, %add3A_83 : i32
      %dma_wait3A_85 = arith.constant 1 : i32
      %dma_wait3A_86 = arith.constant 0 : i32
      %dma_wait3A_87 = arith.constant 0 : i32
      %dma_wait3A_88 = tpu.memref_slice %arg6[%dma_wait3A_85, %dma_wait3A_86, %dma_wait3A_87] : memref<2x2x80xi32, #tpu.memory_space<vmem>> -> memref<1x2x80xi32, #tpu.memory_space<vmem>>
      %dma_wait3A_89 = tpu.memref_squeeze %dma_wait3A_88 : memref<1x2x80xi32, #tpu.memory_space<vmem>> -> memref<2x80xi32, #tpu.memory_space<vmem>>
      %dma_wait3A_90 = arith.constant 0 : i32
      %dma_wait3A_91 = arith.constant 0 : i32
      %dma_wait3A_92 = tpu.memref_slice %arg3[%add3A, %add3A_84, %dma_wait3A_90, %dma_wait3A_91] : memref<32x126x2x80xi32, #tpu.memory_space<hbm>> -> memref<1x1x2x80xi32, #tpu.memory_space<hbm>>
      %dma_wait3A_93 = tpu.memref_squeeze %dma_wait3A_92 : memref<1x1x2x80xi32, #tpu.memory_space<hbm>> -> memref<2x80xi32, #tpu.memory_space<hbm>>
      %dma_wait3A_94 = arith.constant 0 : i32
      %dma_wait3A_95 = arith.constant 0 : i32
      %dma_wait3A_96 = tpu.memref_slice %arg6[%dma_wait3A_85, %dma_wait3A_94, %dma_wait3A_95] : memref<2x2x80xi32, #tpu.memory_space<vmem>> -> memref<1x2x80xi32, #tpu.memory_space<vmem>>
      %dma_wait3A_97 = tpu.memref_squeeze %dma_wait3A_96 : memref<1x2x80xi32, #tpu.memory_space<vmem>> -> memref<2x80xi32, #tpu.memory_space<vmem>>
      %dma_wait3A_98 = arith.constant 0 : i32
      %dma_wait3A_99 = arith.constant 0 : i32
      %dma_wait3A_100 = tpu.memref_slice %arg3[%add3A, %add3A_84, %dma_wait3A_98, %dma_wait3A_99] : memref<32x126x2x80xi32, #tpu.memory_space<hbm>> -> memref<1x1x2x80xi32, #tpu.memory_space<hbm>>
      %dma_wait3A_101 = tpu.memref_squeeze %dma_wait3A_100 : memref<1x1x2x80xi32, #tpu.memory_space<hbm>> -> memref<2x80xi32, #tpu.memory_space<hbm>>
      tpu.wait_dma2 semaphore(%arg10 : memref<!tpu.dma_semaphore, #tpu.memory_space<semaphore_mem>>) src(%dma_wait3A_101 : memref<2x80xi32, #tpu.memory_space<hbm>>) dst(%dma_wait3A_97 : memref<2x80xi32, #tpu.memory_space<vmem>>)
      %dma_start3A_102 = arith.constant 1 : i32
      %dma_start3A_103 = arith.constant 0 : i32
      %dma_start3A_104 = arith.constant 1 : i32
      %dma_start3A_105 = arith.constant 0 : i32
      %dma_start3A_106 = arith.constant 0 : i32
      %dma_start3A_107 = tpu.memref_slice %arg7[%dma_start3A_104, %dma_start3A_105, %dma_start3A_106] : memref<2x80x128xf32, #tpu.memory_space<vmem>> -> memref<1x80x128xf32, #tpu.memory_space<vmem>>
      %dma_start3A_108 = tpu.memref_squeeze %dma_start3A_107 : memref<1x80x128xf32, #tpu.memory_space<vmem>> -> memref<80x128xf32, #tpu.memory_space<vmem>>
      %dma_start3A_109 = arith.constant 0 : i32
      %dma_start3A_110 = tpu.memref_slice %arg6[%dma_start3A_102, %dma_start3A_103, %dma_start3A_109] : memref<2x2x80xi32, #tpu.memory_space<vmem>> -> memref<1x1x80xi32, #tpu.memory_space<vmem>>
      %dma_start3A_111 = tpu.memref_squeeze %dma_start3A_110 : memref<1x1x80xi32, #tpu.memory_space<vmem>> -> memref<80xi32, #tpu.memory_space<vmem>>
      %dma_start3A_112 = arith.constant 0 : i32
      %dma_start3A_113 = arith.constant 0 : i32
      %dma_start3A_114 = tpu.memref_slice %arg2[%dma_start3A_112, %dma_start3A_113] : memref<10000x128xf32, #tpu.memory_space<hbm>> -> memref<10000x128xf32, #tpu.memory_space<hbm>>
      tpu.enqueue_indirect_dma source(%dma_start3A_114 : memref<10000x128xf32, #tpu.memory_space<hbm>>) target(%dma_start3A_108 : memref<80x128xf32, #tpu.memory_space<vmem>>) offsets(%dma_start3A_111 : memref<80xi32, #tpu.memory_space<vmem>>) semaphore(%arg12 : memref<!tpu.dma_semaphore, #tpu.memory_space<semaphore_mem>>)
      %dma_wait3A_115 = arith.constant 0 : i32
      %dma_wait3A_116 = arith.constant 0 : i32
      %dma_wait3A_117 = arith.constant 0 : i32
      %dma_wait3A_118 = arith.constant 0 : i32
      %dma_wait3A_119 = arith.constant 0 : i32
      %dma_wait3A_120 = tpu.memref_slice %arg7[%dma_wait3A_117, %dma_wait3A_118, %dma_wait3A_119] : memref<2x80x128xf32, #tpu.memory_space<vmem>> -> memref<1x80x128xf32, #tpu.memory_space<vmem>>
      %dma_wait3A_121 = tpu.memref_squeeze %dma_wait3A_120 : memref<1x80x128xf32, #tpu.memory_space<vmem>> -> memref<80x128xf32, #tpu.memory_space<vmem>>
      %dma_wait3A_122 = arith.constant 0 : i32
      %dma_wait3A_123 = tpu.memref_slice %arg6[%dma_wait3A_115, %dma_wait3A_116, %dma_wait3A_122] : memref<2x2x80xi32, #tpu.memory_space<vmem>> -> memref<1x1x80xi32, #tpu.memory_space<vmem>>
      %dma_wait3A_124 = tpu.memref_squeeze %dma_wait3A_123 : memref<1x1x80xi32, #tpu.memory_space<vmem>> -> memref<80xi32, #tpu.memory_space<vmem>>
      %dma_wait3A_125 = arith.constant 0 : i32
      %dma_wait3A_126 = arith.constant 0 : i32
      %dma_wait3A_127 = tpu.memref_slice %arg2[%dma_wait3A_125, %dma_wait3A_126] : memref<10000x128xf32, #tpu.memory_space<hbm>> -> memref<10000x128xf32, #tpu.memory_space<hbm>>
      tpu.wait_indirect_dma semaphore(%arg11 : memref<!tpu.dma_semaphore, #tpu.memory_space<semaphore_mem>>) src(%dma_wait3A_127 : memref<10000x128xf32, #tpu.memory_space<hbm>>) dst(%dma_wait3A_121 : memref<80x128xf32, #tpu.memory_space<vmem>>)
      %run_scoped3A = arith.constant 0 : i32
      %run_scoped3A_128 = arith.constant 0 : i32
      %run_scoped3A_129 = arith.constant 1 : i32
      "tpu.region"() ({
        %run_scoped3A_158 = tpu.sem_alloc : memref<!tpu.dma_semaphore, #tpu.memory_space<semaphore_mem>>
        %dma_start3A_159 = arith.constant 0 : i32
        %dma_start3A_160 = arith.constant 0 : i32
        %dma_start3A_161 = tpu.memref_slice %arg7[%run_scoped3A, %dma_start3A_159, %dma_start3A_160] : memref<2x80x128xf32, #tpu.memory_space<vmem>> -> memref<1x80x128xf32, #tpu.memory_space<vmem>>
        %dma_start3A_162 = tpu.memref_squeeze %dma_start3A_161 : memref<1x80x128xf32, #tpu.memory_space<vmem>> -> memref<80x128xf32, #tpu.memory_space<vmem>>
        %dma_start3A_163 = arith.constant 0 : i32
        %dma_start3A_164 = tpu.memref_slice %arg6[%run_scoped3A_128, %run_scoped3A_129, %dma_start3A_163] : memref<2x2x80xi32, #tpu.memory_space<vmem>> -> memref<1x1x80xi32, #tpu.memory_space<vmem>>
        %dma_start3A_165 = tpu.memref_squeeze %dma_start3A_164 : memref<1x1x80xi32, #tpu.memory_space<vmem>> -> memref<80xi32, #tpu.memory_space<vmem>>
        %dma_start3A_166 = arith.constant 0 : i32
        %dma_start3A_167 = arith.constant 0 : i32
        %dma_start3A_168 = tpu.memref_slice %arg8[%dma_start3A_166, %dma_start3A_167] : memref<10240x128xf32, #tpu.memory_space<vmem_shared>> -> memref<10240x128xf32, #tpu.memory_space<vmem_shared>>
        tpu.enqueue_indirect_dma source(%dma_start3A_162 : memref<80x128xf32, #tpu.memory_space<vmem>>) target(%dma_start3A_168 : memref<10240x128xf32, #tpu.memory_space<vmem_shared>>) offsets(%dma_start3A_165 : memref<80xi32, #tpu.memory_space<vmem>>) semaphore(%run_scoped3A_158 : memref<!tpu.dma_semaphore, #tpu.memory_space<semaphore_mem>>) {add = true}
        %dma_wait3A_169 = arith.constant 0 : i32
        %dma_wait3A_170 = arith.constant 0 : i32
        %dma_wait3A_171 = tpu.memref_slice %arg7[%run_scoped3A, %dma_wait3A_169, %dma_wait3A_170] : memref<2x80x128xf32, #tpu.memory_space<vmem>> -> memref<1x80x128xf32, #tpu.memory_space<vmem>>
        %dma_wait3A_172 = tpu.memref_squeeze %dma_wait3A_171 : memref<1x80x128xf32, #tpu.memory_space<vmem>> -> memref<80x128xf32, #tpu.memory_space<vmem>>
        %dma_wait3A_173 = arith.constant 0 : i32
        %dma_wait3A_174 = tpu.memref_slice %arg6[%run_scoped3A_128, %run_scoped3A_129, %dma_wait3A_173] : memref<2x2x80xi32, #tpu.memory_space<vmem>> -> memref<1x1x80xi32, #tpu.memory_space<vmem>>
        %dma_wait3A_175 = tpu.memref_squeeze %dma_wait3A_174 : memref<1x1x80xi32, #tpu.memory_space<vmem>> -> memref<80xi32, #tpu.memory_space<vmem>>
        %dma_wait3A_176 = arith.constant 0 : i32
        %dma_wait3A_177 = arith.constant 0 : i32
        %dma_wait3A_178 = tpu.memref_slice %arg8[%dma_wait3A_176, %dma_wait3A_177] : memref<10240x128xf32, #tpu.memory_space<vmem_shared>> -> memref<10240x128xf32, #tpu.memory_space<vmem_shared>>
        tpu.wait_indirect_dma semaphore(%run_scoped3A_158 : memref<!tpu.dma_semaphore, #tpu.memory_space<semaphore_mem>>) src(%dma_wait3A_172 : memref<80x128xf32, #tpu.memory_space<vmem>>) dst(%dma_wait3A_178 : memref<10240x128xf32, #tpu.memory_space<vmem_shared>>)
        tpu.yield
      }) : () -> ()
      %add3A_130 = arith.constant 2 : i32
      %add3A_131 = arith.addi %mul3A_82, %add3A_130 : i32
      %lt3A = arith.constant 126 : i32
      %lt3A_132 = arith.cmpi slt, %add3A_131, %lt3A : i32
      %convert_element_type3A = arith.extui %lt3A_132 : i1 to i32
      %cond3A = arith.constant 0 : i32
      %cond3A_133 = arith.cmpi ne, %convert_element_type3A, %cond3A : i32
      scf.if %cond3A_133 {
        %add3A_158 = arith.constant 2 : i32
        %add3A_159 = arith.addi %mul3A_82, %add3A_158 : i32
        %dma_start3A_160 = arith.constant 0 : i32
        %dma_start3A_161 = arith.constant 0 : i32
        %dma_start3A_162 = arith.constant 0 : i32
        %dma_start3A_163 = tpu.memref_slice %arg6[%dma_start3A_160, %dma_start3A_161, %dma_start3A_162] : memref<2x2x80xi32, #tpu.memory_space<vmem>> -> memref<1x2x80xi32, #tpu.memory_space<vmem>>
        %dma_start3A_164 = tpu.memref_squeeze %dma_start3A_163 : memref<1x2x80xi32, #tpu.memory_space<vmem>> -> memref<2x80xi32, #tpu.memory_space<vmem>>
        %dma_start3A_165 = arith.constant 0 : i32
        %dma_start3A_166 = arith.constant 0 : i32
        %dma_start3A_167 = tpu.memref_slice %arg3[%add3A, %add3A_159, %dma_start3A_165, %dma_start3A_166] : memref<32x126x2x80xi32, #tpu.memory_space<hbm>> -> memref<1x1x2x80xi32, #tpu.memory_space<hbm>>
        %dma_start3A_168 = tpu.memref_squeeze %dma_start3A_167 : memref<1x1x2x80xi32, #tpu.memory_space<hbm>> -> memref<2x80xi32, #tpu.memory_space<hbm>>
        %dma_start3A_169 = arith.constant 0 : i32
        %dma_start3A_170 = arith.constant 0 : i32
        %dma_start3A_171 = tpu.memref_slice %arg6[%dma_start3A_160, %dma_start3A_169, %dma_start3A_170] : memref<2x2x80xi32, #tpu.memory_space<vmem>> -> memref<1x2x80xi32, #tpu.memory_space<vmem>>
        %dma_start3A_172 = tpu.memref_squeeze %dma_start3A_171 : memref<1x2x80xi32, #tpu.memory_space<vmem>> -> memref<2x80xi32, #tpu.memory_space<vmem>>
        %dma_start3A_173 = arith.constant 0 : i32
        %dma_start3A_174 = arith.constant 0 : i32
        %dma_start3A_175 = tpu.memref_slice %arg3[%add3A, %add3A_159, %dma_start3A_173, %dma_start3A_174] : memref<32x126x2x80xi32, #tpu.memory_space<hbm>> -> memref<1x1x2x80xi32, #tpu.memory_space<hbm>>
        %dma_start3A_176 = tpu.memref_squeeze %dma_start3A_175 : memref<1x1x2x80xi32, #tpu.memory_space<hbm>> -> memref<2x80xi32, #tpu.memory_space<hbm>>
        tpu.enqueue_dma source(%dma_start3A_176 : memref<2x80xi32, #tpu.memory_space<hbm>>) target(%dma_start3A_172 : memref<2x80xi32, #tpu.memory_space<vmem>>) target_semaphore(%arg9 : memref<!tpu.dma_semaphore, #tpu.memory_space<semaphore_mem>>)
        %add3A_177 = arith.constant 2 : i32
        %add3A_178 = arith.addi %mul3A_82, %add3A_177 : i32
        %dma_wait3A_179 = arith.constant 0 : i32
        %dma_wait3A_180 = arith.constant 0 : i32
        %dma_wait3A_181 = arith.constant 0 : i32
        %dma_wait3A_182 = tpu.memref_slice %arg6[%dma_wait3A_179, %dma_wait3A_180, %dma_wait3A_181] : memref<2x2x80xi32, #tpu.memory_space<vmem>> -> memref<1x2x80xi32, #tpu.memory_space<vmem>>
        %dma_wait3A_183 = tpu.memref_squeeze %dma_wait3A_182 : memref<1x2x80xi32, #tpu.memory_space<vmem>> -> memref<2x80xi32, #tpu.memory_space<vmem>>
        %dma_wait3A_184 = arith.constant 0 : i32
        %dma_wait3A_185 = arith.constant 0 : i32
        %dma_wait3A_186 = tpu.memref_slice %arg3[%add3A, %add3A_178, %dma_wait3A_184, %dma_wait3A_185] : memref<32x126x2x80xi32, #tpu.memory_space<hbm>> -> memref<1x1x2x80xi32, #tpu.memory_space<hbm>>
        %dma_wait3A_187 = tpu.memref_squeeze %dma_wait3A_186 : memref<1x1x2x80xi32, #tpu.memory_space<hbm>> -> memref<2x80xi32, #tpu.memory_space<hbm>>
        %dma_wait3A_188 = arith.constant 0 : i32
        %dma_wait3A_189 = arith.constant 0 : i32
        %dma_wait3A_190 = tpu.memref_slice %arg6[%dma_wait3A_179, %dma_wait3A_188, %dma_wait3A_189] : memref<2x2x80xi32, #tpu.memory_space<vmem>> -> memref<1x2x80xi32, #tpu.memory_space<vmem>>
        %dma_wait3A_191 = tpu.memref_squeeze %dma_wait3A_190 : memref<1x2x80xi32, #tpu.memory_space<vmem>> -> memref<2x80xi32, #tpu.memory_space<vmem>>
        %dma_wait3A_192 = arith.constant 0 : i32
        %dma_wait3A_193 = arith.constant 0 : i32
        %dma_wait3A_194 = tpu.memref_slice %arg3[%add3A, %add3A_178, %dma_wait3A_192, %dma_wait3A_193] : memref<32x126x2x80xi32, #tpu.memory_space<hbm>> -> memref<1x1x2x80xi32, #tpu.memory_space<hbm>>
        %dma_wait3A_195 = tpu.memref_squeeze %dma_wait3A_194 : memref<1x1x2x80xi32, #tpu.memory_space<hbm>> -> memref<2x80xi32, #tpu.memory_space<hbm>>
        tpu.wait_dma2 semaphore(%arg9 : memref<!tpu.dma_semaphore, #tpu.memory_space<semaphore_mem>>) src(%dma_wait3A_195 : memref<2x80xi32, #tpu.memory_space<hbm>>) dst(%dma_wait3A_191 : memref<2x80xi32, #tpu.memory_space<vmem>>)
        %dma_start3A_196 = arith.constant 0 : i32
        %dma_start3A_197 = arith.constant 0 : i32
        %dma_start3A_198 = arith.constant 0 : i32
        %dma_start3A_199 = arith.constant 0 : i32
        %dma_start3A_200 = arith.constant 0 : i32
        %dma_start3A_201 = tpu.memref_slice %arg7[%dma_start3A_198, %dma_start3A_199, %dma_start3A_200] : memref<2x80x128xf32, #tpu.memory_space<vmem>> -> memref<1x80x128xf32, #tpu.memory_space<vmem>>
        %dma_start3A_202 = tpu.memref_squeeze %dma_start3A_201 : memref<1x80x128xf32, #tpu.memory_space<vmem>> -> memref<80x128xf32, #tpu.memory_space<vmem>>
        %dma_start3A_203 = arith.constant 0 : i32
        %dma_start3A_204 = tpu.memref_slice %arg6[%dma_start3A_196, %dma_start3A_197, %dma_start3A_203] : memref<2x2x80xi32, #tpu.memory_space<vmem>> -> memref<1x1x80xi32, #tpu.memory_space<vmem>>
        %dma_start3A_205 = tpu.memref_squeeze %dma_start3A_204 : memref<1x1x80xi32, #tpu.memory_space<vmem>> -> memref<80xi32, #tpu.memory_space<vmem>>
        %dma_start3A_206 = arith.constant 0 : i32
        %dma_start3A_207 = arith.constant 0 : i32
        %dma_start3A_208 = tpu.memref_slice %arg2[%dma_start3A_206, %dma_start3A_207] : memref<10000x128xf32, #tpu.memory_space<hbm>> -> memref<10000x128xf32, #tpu.memory_space<hbm>>
        tpu.enqueue_indirect_dma source(%dma_start3A_208 : memref<10000x128xf32, #tpu.memory_space<hbm>>) target(%dma_start3A_202 : memref<80x128xf32, #tpu.memory_space<vmem>>) offsets(%dma_start3A_205 : memref<80xi32, #tpu.memory_space<vmem>>) semaphore(%arg11 : memref<!tpu.dma_semaphore, #tpu.memory_space<semaphore_mem>>)
      } else {
      }
      %dma_wait3A_134 = arith.constant 1 : i32
      %dma_wait3A_135 = arith.constant 0 : i32
      %dma_wait3A_136 = arith.constant 1 : i32
      %dma_wait3A_137 = arith.constant 0 : i32
      %dma_wait3A_138 = arith.constant 0 : i32
      %dma_wait3A_139 = tpu.memref_slice %arg7[%dma_wait3A_136, %dma_wait3A_137, %dma_wait3A_138] : memref<2x80x128xf32, #tpu.memory_space<vmem>> -> memref<1x80x128xf32, #tpu.memory_space<vmem>>
      %dma_wait3A_140 = tpu.memref_squeeze %dma_wait3A_139 : memref<1x80x128xf32, #tpu.memory_space<vmem>> -> memref<80x128xf32, #tpu.memory_space<vmem>>
      %dma_wait3A_141 = arith.constant 0 : i32
      %dma_wait3A_142 = tpu.memref_slice %arg6[%dma_wait3A_134, %dma_wait3A_135, %dma_wait3A_141] : memref<2x2x80xi32, #tpu.memory_space<vmem>> -> memref<1x1x80xi32, #tpu.memory_space<vmem>>
      %dma_wait3A_143 = tpu.memref_squeeze %dma_wait3A_142 : memref<1x1x80xi32, #tpu.memory_space<vmem>> -> memref<80xi32, #tpu.memory_space<vmem>>
      %dma_wait3A_144 = arith.constant 0 : i32
      %dma_wait3A_145 = arith.constant 0 : i32
      %dma_wait3A_146 = tpu.memref_slice %arg2[%dma_wait3A_144, %dma_wait3A_145] : memref<10000x128xf32, #tpu.memory_space<hbm>> -> memref<10000x128xf32, #tpu.memory_space<hbm>>
      tpu.wait_indirect_dma semaphore(%arg12 : memref<!tpu.dma_semaphore, #tpu.memory_space<semaphore_mem>>) src(%dma_wait3A_146 : memref<10000x128xf32, #tpu.memory_space<hbm>>) dst(%dma_wait3A_140 : memref<80x128xf32, #tpu.memory_space<vmem>>)
      %run_scoped3A_147 = arith.constant 1 : i32
      %run_scoped3A_148 = arith.constant 1 : i32
      %run_scoped3A_149 = arith.constant 1 : i32
      "tpu.region"() ({
        %run_scoped3A_158 = tpu.sem_alloc : memref<!tpu.dma_semaphore, #tpu.memory_space<semaphore_mem>>
        %dma_start3A_159 = arith.constant 0 : i32
        %dma_start3A_160 = arith.constant 0 : i32
        %dma_start3A_161 = tpu.memref_slice %arg7[%run_scoped3A_147, %dma_start3A_159, %dma_start3A_160] : memref<2x80x128xf32, #tpu.memory_space<vmem>> -> memref<1x80x128xf32, #tpu.memory_space<vmem>>
        %dma_start3A_162 = tpu.memref_squeeze %dma_start3A_161 : memref<1x80x128xf32, #tpu.memory_space<vmem>> -> memref<80x128xf32, #tpu.memory_space<vmem>>
        %dma_start3A_163 = arith.constant 0 : i32
        %dma_start3A_164 = tpu.memref_slice %arg6[%run_scoped3A_148, %run_scoped3A_149, %dma_start3A_163] : memref<2x2x80xi32, #tpu.memory_space<vmem>> -> memref<1x1x80xi32, #tpu.memory_space<vmem>>
        %dma_start3A_165 = tpu.memref_squeeze %dma_start3A_164 : memref<1x1x80xi32, #tpu.memory_space<vmem>> -> memref<80xi32, #tpu.memory_space<vmem>>
        %dma_start3A_166 = arith.constant 0 : i32
        %dma_start3A_167 = arith.constant 0 : i32
        %dma_start3A_168 = tpu.memref_slice %arg8[%dma_start3A_166, %dma_start3A_167] : memref<10240x128xf32, #tpu.memory_space<vmem_shared>> -> memref<10240x128xf32, #tpu.memory_space<vmem_shared>>
        tpu.enqueue_indirect_dma source(%dma_start3A_162 : memref<80x128xf32, #tpu.memory_space<vmem>>) target(%dma_start3A_168 : memref<10240x128xf32, #tpu.memory_space<vmem_shared>>) offsets(%dma_start3A_165 : memref<80xi32, #tpu.memory_space<vmem>>) semaphore(%run_scoped3A_158 : memref<!tpu.dma_semaphore, #tpu.memory_space<semaphore_mem>>) {add = true}
        %dma_wait3A_169 = arith.constant 0 : i32
        %dma_wait3A_170 = arith.constant 0 : i32
        %dma_wait3A_171 = tpu.memref_slice %arg7[%run_scoped3A_147, %dma_wait3A_169, %dma_wait3A_170] : memref<2x80x128xf32, #tpu.memory_space<vmem>> -> memref<1x80x128xf32, #tpu.memory_space<vmem>>
        %dma_wait3A_172 = tpu.memref_squeeze %dma_wait3A_171 : memref<1x80x128xf32, #tpu.memory_space<vmem>> -> memref<80x128xf32, #tpu.memory_space<vmem>>
        %dma_wait3A_173 = arith.constant 0 : i32
        %dma_wait3A_174 = tpu.memref_slice %arg6[%run_scoped3A_148, %run_scoped3A_149, %dma_wait3A_173] : memref<2x2x80xi32, #tpu.memory_space<vmem>> -> memref<1x1x80xi32, #tpu.memory_space<vmem>>
        %dma_wait3A_175 = tpu.memref_squeeze %dma_wait3A_174 : memref<1x1x80xi32, #tpu.memory_space<vmem>> -> memref<80xi32, #tpu.memory_space<vmem>>
        %dma_wait3A_176 = arith.constant 0 : i32
        %dma_wait3A_177 = arith.constant 0 : i32
        %dma_wait3A_178 = tpu.memref_slice %arg8[%dma_wait3A_176, %dma_wait3A_177] : memref<10240x128xf32, #tpu.memory_space<vmem_shared>> -> memref<10240x128xf32, #tpu.memory_space<vmem_shared>>
        tpu.wait_indirect_dma semaphore(%run_scoped3A_158 : memref<!tpu.dma_semaphore, #tpu.memory_space<semaphore_mem>>) src(%dma_wait3A_172 : memref<80x128xf32, #tpu.memory_space<vmem>>) dst(%dma_wait3A_178 : memref<10240x128xf32, #tpu.memory_space<vmem_shared>>)
        tpu.yield
      }) : () -> ()
      %add3A_150 = arith.constant 2 : i32
      %add3A_151 = arith.addi %add3A_84, %add3A_150 : i32
      %lt3A_152 = arith.constant 126 : i32
      %lt3A_153 = arith.cmpi slt, %add3A_151, %lt3A_152 : i32
      %convert_element_type3A_154 = arith.extui %lt3A_153 : i1 to i32
      %cond3A_155 = arith.constant 0 : i32
      %cond3A_156 = arith.cmpi ne, %convert_element_type3A_154, %cond3A_155 : i32
      scf.if %cond3A_156 {
        %add3A_158 = arith.constant 2 : i32
        %add3A_159 = arith.addi %add3A_84, %add3A_158 : i32
        %dma_start3A_160 = arith.constant 1 : i32
        %dma_start3A_161 = arith.constant 0 : i32
        %dma_start3A_162 = arith.constant 0 : i32
        %dma_start3A_163 = tpu.memref_slice %arg6[%dma_start3A_160, %dma_start3A_161, %dma_start3A_162] : memref<2x2x80xi32, #tpu.memory_space<vmem>> -> memref<1x2x80xi32, #tpu.memory_space<vmem>>
        %dma_start3A_164 = tpu.memref_squeeze %dma_start3A_163 : memref<1x2x80xi32, #tpu.memory_space<vmem>> -> memref<2x80xi32, #tpu.memory_space<vmem>>
        %dma_start3A_165 = arith.constant 0 : i32
        %dma_start3A_166 = arith.constant 0 : i32
        %dma_start3A_167 = tpu.memref_slice %arg3[%add3A, %add3A_159, %dma_start3A_165, %dma_start3A_166] : memref<32x126x2x80xi32, #tpu.memory_space<hbm>> -> memref<1x1x2x80xi32, #tpu.memory_space<hbm>>
        %dma_start3A_168 = tpu.memref_squeeze %dma_start3A_167 : memref<1x1x2x80xi32, #tpu.memory_space<hbm>> -> memref<2x80xi32, #tpu.memory_space<hbm>>
        %dma_start3A_169 = arith.constant 0 : i32
        %dma_start3A_170 = arith.constant 0 : i32
        %dma_start3A_171 = tpu.memref_slice %arg6[%dma_start3A_160, %dma_start3A_169, %dma_start3A_170] : memref<2x2x80xi32, #tpu.memory_space<vmem>> -> memref<1x2x80xi32, #tpu.memory_space<vmem>>
        %dma_start3A_172 = tpu.memref_squeeze %dma_start3A_171 : memref<1x2x80xi32, #tpu.memory_space<vmem>> -> memref<2x80xi32, #tpu.memory_space<vmem>>
        %dma_start3A_173 = arith.constant 0 : i32
        %dma_start3A_174 = arith.constant 0 : i32
        %dma_start3A_175 = tpu.memref_slice %arg3[%add3A, %add3A_159, %dma_start3A_173, %dma_start3A_174] : memref<32x126x2x80xi32, #tpu.memory_space<hbm>> -> memref<1x1x2x80xi32, #tpu.memory_space<hbm>>
        %dma_start3A_176 = tpu.memref_squeeze %dma_start3A_175 : memref<1x1x2x80xi32, #tpu.memory_space<hbm>> -> memref<2x80xi32, #tpu.memory_space<hbm>>
        tpu.enqueue_dma source(%dma_start3A_176 : memref<2x80xi32, #tpu.memory_space<hbm>>) target(%dma_start3A_172 : memref<2x80xi32, #tpu.memory_space<vmem>>) target_semaphore(%arg10 : memref<!tpu.dma_semaphore, #tpu.memory_space<semaphore_mem>>)
      } else {
      }
      %scan3A_157 = arith.constant 0 : i32
      scf.yield %scan3A_157 : i32
    }
    %scan3A_73 = arith.constant 63 : i32
    %barrier3A_74 = arith.constant 0 : index
    tpu.barrier barrier_id(%barrier3A_74)
    %mul3A_75 = arith.constant 640 : i32
    %mul3A_76 = arith.muli %arg1, %mul3A_75 : i32
    %mul3A_77 = arith.constant 640 : i32
    %mul3A_78 = arith.muli %arg1, %mul3A_77 : i32
    "tpu.region"() ({
      %run_scoped3A = tpu.sem_alloc : memref<!tpu.dma_semaphore, #tpu.memory_space<semaphore_mem>>
      %dma_start3A_79 = arith.constant 0 : i32
      %dma_start3A_80 = tpu.memref_slice %arg5[%arg0, %mul3A_78, %dma_start3A_79] : memref<2x10240x128xf32, #tpu.memory_space<hbm>> -> memref<1x640x128xf32, #tpu.memory_space<hbm>>
      %dma_start3A_81 = tpu.memref_squeeze %dma_start3A_80 : memref<1x640x128xf32, #tpu.memory_space<hbm>> -> memref<640x128xf32, #tpu.memory_space<hbm>>
      %dma_start3A_82 = arith.constant 0 : i32
      %dma_start3A_83 = tpu.memref_slice %arg8[%mul3A_76, %dma_start3A_82] : memref<10240x128xf32, #tpu.memory_space<vmem_shared>> -> memref<640x128xf32, #tpu.memory_space<vmem_shared>>
      tpu.enqueue_dma source(%dma_start3A_83 : memref<640x128xf32, #tpu.memory_space<vmem_shared>>) target(%dma_start3A_81 : memref<640x128xf32, #tpu.memory_space<hbm>>) target_semaphore(%run_scoped3A : memref<!tpu.dma_semaphore, #tpu.memory_space<semaphore_mem>>)
      %dma_wait3A_84 = arith.constant 0 : i32
      %dma_wait3A_85 = tpu.memref_slice %arg5[%arg0, %mul3A_78, %dma_wait3A_84] : memref<2x10240x128xf32, #tpu.memory_space<hbm>> -> memref<1x640x128xf32, #tpu.memory_space<hbm>>
      %dma_wait3A_86 = tpu.memref_squeeze %dma_wait3A_85 : memref<1x640x128xf32, #tpu.memory_space<hbm>> -> memref<640x128xf32, #tpu.memory_space<hbm>>
      %dma_wait3A_87 = arith.constant 0 : i32
      %dma_wait3A_88 = tpu.memref_slice %arg8[%mul3A_76, %dma_wait3A_87] : memref<10240x128xf32, #tpu.memory_space<vmem_shared>> -> memref<640x128xf32, #tpu.memory_space<vmem_shared>>
      tpu.wait_dma2 semaphore(%run_scoped3A : memref<!tpu.dma_semaphore, #tpu.memory_space<semaphore_mem>>) src(%dma_wait3A_88 : memref<640x128xf32, #tpu.memory_space<vmem_shared>>) dst(%dma_wait3A_86 : memref<640x128xf32, #tpu.memory_space<hbm>>)
      tpu.yield
    }) : () -> ()
    return
  }
}

module attributes {stable_mosaic.version = 14 : i64} {
  func.func @_scale_body(%arg0: i32, %arg1: memref<400x2xf32, #tpu.memory_space<vmem>>, %arg2: memref<400x128xf32, #tpu.memory_space<vmem>>, %arg3: memref<400x1xf32, #tpu.memory_space<vmem>>, %arg4: memref<400x128xf32, #tpu.memory_space<vmem>>) attributes {dimension_semantics = [#tpu.dimension_semantics<arbitrary>], iteration_bounds = array<i64: 25>, scalar_prefetch = 0 : i64, scratch_operands = 0 : i64, tpu.core_type = #tpu.core_type<tc>, window_params = [{transform_indices = @transform_0, window_bounds = array<i64: 400, 2>}, {transform_indices = @transform_1, window_bounds = array<i64: 400, 128>}, {transform_indices = @transform_2, window_bounds = array<i64: 400, 1>}, {transform_indices = @transform_3, window_bounds = array<i64: 400, 128>}]} {
    %get3A = arith.constant 0 : index
    %get3A_0 = arith.constant 0 : index
    %get3A_1 = vector.load %arg1[%get3A, %get3A_0] : memref<400x2xf32, #tpu.memory_space<vmem>>, vector<400x1xf32>
    %get3A_2 = arith.constant 0 : index
    %get3A_3 = arith.constant 1 : index
    %get3A_4 = vector.load %arg1[%get3A_2, %get3A_3] : memref<400x2xf32, #tpu.memory_space<vmem>>, vector<400x1xf32>
    %add3A = arith.addf %get3A_1, %get3A_4 : vector<400x1xf32>
    %add3A_5 = arith.constant 1.000000e+00 : f32
    %add3A_6 = vector.broadcast %add3A_5 : f32 to vector<400x1xf32>
    %add3A_7 = arith.addf %add3A, %add3A_6 : vector<400x1xf32>
    %rsqrt3A = math.rsqrt %add3A_7 : vector<400x1xf32>
    %swap3A = arith.constant 0 : index
    %swap3A_8 = arith.constant 0 : index
    %swap3A_9 = vector.load %arg3[%swap3A, %swap3A_8] : memref<400x1xf32, #tpu.memory_space<vmem>>, vector<400x1xf32>
    tpu.vector_store %arg3[%swap3A, %swap3A_8], %rsqrt3A {strides = array<i32>} : memref<400x1xf32, #tpu.memory_space<vmem>>, vector<400x1xf32>,
    %get3A_10 = arith.constant 0 : index
    %get3A_11 = arith.constant 0 : index
    %get3A_12 = vector.load %arg2[%get3A_10, %get3A_11] : memref<400x128xf32, #tpu.memory_space<vmem>>, vector<400x128xf32>
    %mul3A = vector.broadcast %rsqrt3A : vector<400x1xf32> to vector<400x128xf32>
    %mul3A_13 = arith.mulf %get3A_12, %mul3A : vector<400x128xf32>
    %swap3A_14 = arith.constant 0 : index
    %swap3A_15 = arith.constant 0 : index
    %swap3A_16 = vector.load %arg4[%swap3A_14, %swap3A_15] : memref<400x128xf32, #tpu.memory_space<vmem>>, vector<400x128xf32>
    tpu.vector_store %arg4[%swap3A_14, %swap3A_15], %mul3A_13 {strides = array<i32>} : memref<400x128xf32, #tpu.memory_space<vmem>>, vector<400x128xf32>,
    return
  }
  func.func @transform_0(%arg0: i32) -> (i32, i32) {
    %c0_i32 = arith.constant 0 : i32
    %c0_i32_0 = arith.constant 0 : i32
    return %arg0, %c0_i32 : i32, i32
  }
  func.func @transform_1(%arg0: i32) -> (i32, i32) {
    %c0_i32 = arith.constant 0 : i32
    %c0_i32_0 = arith.constant 0 : i32
    return %arg0, %c0_i32 : i32, i32
  }
  func.func @transform_2(%arg0: i32) -> (i32, i32) {
    %c0_i32 = arith.constant 0 : i32
    %c0_i32_0 = arith.constant 0 : i32
    return %arg0, %c0_i32 : i32, i32
  }
  func.func @transform_3(%arg0: i32) -> (i32, i32) {
    %c0_i32 = arith.constant 0 : i32
    %c0_i32_0 = arith.constant 0 : i32
    return %arg0, %c0_i32 : i32, i32
  }
}

module attributes {stable_mosaic.version = 14 : i64} {
  func.func @_out_body(%arg0: i32, %arg1: memref<1x400x128xf32, #tpu.memory_space<vmem>>, %arg2: memref<1x400x128xf32, #tpu.memory_space<vmem>>, %arg3: memref<400x128xf32, #tpu.memory_space<vmem>>, %arg4: memref<400x1xf32, #tpu.memory_space<vmem>>, %arg5: memref<128x128xf32, #tpu.memory_space<vmem>>, %arg6: memref<128x128xf32, #tpu.memory_space<vmem>>, %arg7: memref<1x128xf32, #tpu.memory_space<vmem>>, %arg8: memref<1x128xf32, #tpu.memory_space<vmem>>, %arg9: memref<400x128xf32, #tpu.memory_space<vmem>>, %arg10: memref<400x128xf32, #tpu.memory_space<vmem>>) attributes {dimension_semantics = [#tpu.dimension_semantics<arbitrary>], iteration_bounds = array<i64: 25>, scalar_prefetch = 0 : i64, scratch_operands = 0 : i64, tpu.core_type = #tpu.core_type<tc>, window_params = [{transform_indices = @transform_0, window_bounds = array<i64: 1, 400, 128>}, {transform_indices = @transform_1, window_bounds = array<i64: 1, 400, 128>}, {transform_indices = @transform_2, window_bounds = array<i64: 400, 128>}, {transform_indices = @transform_3, window_bounds = array<i64: 400, 1>}, {pipeline_mode = #tpu.pipeline_mode<synchronous>, transform_indices = @transform_4, window_bounds = array<i64: 128, 128>}, {pipeline_mode = #tpu.pipeline_mode<synchronous>, transform_indices = @transform_5, window_bounds = array<i64: 128, 128>}, {pipeline_mode = #tpu.pipeline_mode<synchronous>, transform_indices = @transform_6, window_bounds = array<i64: 1, 128>}, {pipeline_mode = #tpu.pipeline_mode<synchronous>, transform_indices = @transform_7, window_bounds = array<i64: 1, 128>}, {transform_indices = @transform_8, window_bounds = array<i64: 400, 128>}, {transform_indices = @transform_9, window_bounds = array<i64: 400, 128>}]} {
    %get3A = arith.constant 0 : index
    %get3A_0 = arith.constant 0 : index
    %get3A_1 = arith.constant 0 : index
    %get3A_2 = vector.load %arg1[%get3A, %get3A_0, %get3A_1] : memref<1x400x128xf32, #tpu.memory_space<vmem>>, vector<1x400x128xf32>
    %get3A_3 = vector.shape_cast %get3A_2 : vector<1x400x128xf32> to vector<400x128xf32>
    %get3A_4 = arith.constant 0 : index
    %get3A_5 = arith.constant 0 : index
    %get3A_6 = arith.constant 0 : index
    %get3A_7 = vector.load %arg2[%get3A_4, %get3A_5, %get3A_6] : memref<1x400x128xf32, #tpu.memory_space<vmem>>, vector<1x400x128xf32>
    %get3A_8 = vector.shape_cast %get3A_7 : vector<1x400x128xf32> to vector<400x128xf32>
    %add3A = arith.addf %get3A_3, %get3A_8 : vector<400x128xf32>
    %get3A_9 = arith.constant 0 : index
    %get3A_10 = arith.constant 0 : index
    %get3A_11 = vector.load %arg3[%get3A_9, %get3A_10] : memref<400x128xf32, #tpu.memory_space<vmem>>, vector<400x128xf32>
    %add3A_12 = arith.addf %add3A, %get3A_11 : vector<400x128xf32>
    %get3A_13 = arith.constant 0 : index
    %get3A_14 = arith.constant 0 : index
    %get3A_15 = vector.load %arg4[%get3A_13, %get3A_14] : memref<400x1xf32, #tpu.memory_space<vmem>>, vector<400x1xf32>
    %mul3A = vector.broadcast %get3A_15 : vector<400x1xf32> to vector<400x128xf32>
    %mul3A_16 = arith.mulf %add3A_12, %mul3A : vector<400x128xf32>
    %get3A_17 = arith.constant 0 : index
    %get3A_18 = arith.constant 0 : index
    %get3A_19 = vector.load %arg5[%get3A_17, %get3A_18] : memref<128x128xf32, #tpu.memory_space<vmem>>, vector<128x128xf32>
    %dot_general3A = arith.constant dense<0.000000e+00> : vector<400x128xf32>
    %dot_general3A_20 = tpu.matmul %mul3A_16, %get3A_19, %dot_general3A {dimension_numbers = #tpu.dot_dimension_numbers<[1], [0], [0], [1], [0, 0, 1, 1], [], []>, precision = #tpu.contract_precision<fp32>, transpose_lhs_hint = false} : vector<400x128xf32>, vector<128x128xf32>, vector<400x128xf32> -> vector<400x128xf32>
    %get3A_21 = arith.constant 0 : index
    %get3A_22 = arith.constant 0 : index
    %get3A_23 = vector.load %arg7[%get3A_21, %get3A_22] : memref<1x128xf32, #tpu.memory_space<vmem>>, vector<1x128xf32>
    %add3A_24 = vector.broadcast %get3A_23 : vector<1x128xf32> to vector<400x128xf32>
    %add3A_25 = arith.addf %dot_general3A_20, %add3A_24 : vector<400x128xf32>
    %swap3A = arith.constant 0 : index
    %swap3A_26 = arith.constant 0 : index
    %swap3A_27 = vector.load %arg9[%swap3A, %swap3A_26] : memref<400x128xf32, #tpu.memory_space<vmem>>, vector<400x128xf32>
    tpu.vector_store %arg9[%swap3A, %swap3A_26], %add3A_25 {strides = array<i32>} : memref<400x128xf32, #tpu.memory_space<vmem>>, vector<400x128xf32>,
    %get3A_28 = arith.constant 0 : index
    %get3A_29 = arith.constant 0 : index
    %get3A_30 = vector.load %arg6[%get3A_28, %get3A_29] : memref<128x128xf32, #tpu.memory_space<vmem>>, vector<128x128xf32>
    %dot_general3A_31 = arith.constant dense<0.000000e+00> : vector<400x128xf32>
    %dot_general3A_32 = tpu.matmul %mul3A_16, %get3A_30, %dot_general3A_31 {dimension_numbers = #tpu.dot_dimension_numbers<[1], [0], [0], [1], [0, 0, 1, 1], [], []>, precision = #tpu.contract_precision<fp32>, transpose_lhs_hint = false} : vector<400x128xf32>, vector<128x128xf32>, vector<400x128xf32> -> vector<400x128xf32>
    %get3A_33 = arith.constant 0 : index
    %get3A_34 = arith.constant 0 : index
    %get3A_35 = vector.load %arg8[%get3A_33, %get3A_34] : memref<1x128xf32, #tpu.memory_space<vmem>>, vector<1x128xf32>
    %add3A_36 = vector.broadcast %get3A_35 : vector<1x128xf32> to vector<400x128xf32>
    %add3A_37 = arith.addf %dot_general3A_32, %add3A_36 : vector<400x128xf32>
    %swap3A_38 = arith.constant 0 : index
    %swap3A_39 = arith.constant 0 : index
    %swap3A_40 = vector.load %arg10[%swap3A_38, %swap3A_39] : memref<400x128xf32, #tpu.memory_space<vmem>>, vector<400x128xf32>
    tpu.vector_store %arg10[%swap3A_38, %swap3A_39], %add3A_37 {strides = array<i32>} : memref<400x128xf32, #tpu.memory_space<vmem>>, vector<400x128xf32>,
    return
  }
  func.func @transform_0(%arg0: i32) -> (i32, i32, i32) {
    %c0_i32 = arith.constant 0 : i32
    %c0_i32_0 = arith.constant 0 : i32
    %c0_i32_1 = arith.constant 0 : i32
    return %c0_i32, %arg0, %c0_i32_0 : i32, i32, i32
  }
  func.func @transform_1(%arg0: i32) -> (i32, i32, i32) {
    %c1_i32 = arith.constant 1 : i32
    %c0_i32 = arith.constant 0 : i32
    %c0_i32_0 = arith.constant 0 : i32
    return %c1_i32, %arg0, %c0_i32 : i32, i32, i32
  }
  func.func @transform_2(%arg0: i32) -> (i32, i32) {
    %c0_i32 = arith.constant 0 : i32
    %c0_i32_0 = arith.constant 0 : i32
    return %arg0, %c0_i32 : i32, i32
  }
  func.func @transform_3(%arg0: i32) -> (i32, i32) {
    %c0_i32 = arith.constant 0 : i32
    %c0_i32_0 = arith.constant 0 : i32
    return %arg0, %c0_i32 : i32, i32
  }
  func.func @transform_4(%arg0: i32) -> (i32, i32) {
    %c0_i32 = arith.constant 0 : i32
    %c0_i32_0 = arith.constant 0 : i32
    %c0_i32_1 = arith.constant 0 : i32
    return %c0_i32, %c0_i32_0 : i32, i32
  }
  func.func @transform_5(%arg0: i32) -> (i32, i32) {
    %c0_i32 = arith.constant 0 : i32
    %c0_i32_0 = arith.constant 0 : i32
    %c0_i32_1 = arith.constant 0 : i32
    return %c0_i32, %c0_i32_0 : i32, i32
  }
  func.func @transform_6(%arg0: i32) -> (i32, i32) {
    %c0_i32 = arith.constant 0 : i32
    %c0_i32_0 = arith.constant 0 : i32
    %c0_i32_1 = arith.constant 0 : i32
    return %c0_i32, %c0_i32_0 : i32, i32
  }
  func.func @transform_7(%arg0: i32) -> (i32, i32) {
    %c0_i32 = arith.constant 0 : i32
    %c0_i32_0 = arith.constant 0 : i32
    %c0_i32_1 = arith.constant 0 : i32
    return %c0_i32, %c0_i32_0 : i32, i32
  }
  func.func @transform_8(%arg0: i32) -> (i32, i32) {
    %c0_i32 = arith.constant 0 : i32
    %c0_i32_0 = arith.constant 0 : i32
    return %arg0, %c0_i32 : i32, i32
  }
  func.func @transform_9(%arg0: i32) -> (i32, i32) {
    %c0_i32 = arith.constant 0 : i32
    %c0_i32_0 = arith.constant 0 : i32
    return %arg0, %c0_i32 : i32, i32
  }
}

</mosaic_0001>

<sc_bundles>
// kernel: kernel.6.cloned.1.call-start
scs
__scs_entry_jumppad:
0x0: {  	(pc) =	sbr.rel $0x88, $3  }
0x1: {  	(tag) =	ssettag $0x0;
	lr =	simm.s32 $0x1  }
0x2: {  	[smem:$0x3F9B] =	sst lr;
	_ =	strace $0xD0000000  }
0x3: {  	_ = 	snop  }
0x4: {  	_ = 	snop  }
0x5: {  	_ = 	snop  }
0x6: {  	_ = 	snop  }
0x7: {  	_ = 	snop  }
__scs_overlays_trampoline_lowered:
0x8: {  	[smem:$0x3FAA] =	sst s0  }
0x9: {  	[smem:$0x3FAB] =	sst s1  }
0xa: {  	[smem:$0x3FAC] =	sst s2  }
0xb: {  	[smem:$0x3FAD] =	sst s3  }
0xc: {  	[smem:$0x3FAE] =	sst s4  }
0xd: {  	[smem:$0x3FAF] =	sst s5  }
0xe: {  	[smem:$0x3FB0] =	sst s6  }
0xf: {  	[smem:$0x3FB1] =	sst s7  }
0x10: {  	[smem:$0x3FB2] =	sst s8  }
0x11: {  	[smem:$0x3FB3] =	sst s9;
	s0 =	simm.s32 @!p0 $0x0  }
0x12: {  	s1 =	sld [smem:$0x3F99];
	s0 =	simm.s32 @p0 $0x1  }
0x13: {  	[smem:$0x3FB4] =	sst s0;
	s0 =	simm.s32 @!p1 $0x0  }
0x14: {  	s2 =	sld [smem:$0x3F98];
	s0 =	simm.s32 @p1 $0x1  }
0x15: {  	[smem:$0x3FB5] =	sst s0;
	s0 =	simm.s32 @!p2 $0x0  }
0x16: {  	s3 =	sld [smem:$0x3FDB];
	s0 =	simm.s32 @p2 $0x1  }
0x17: {  	s4 =	simm.s32 $0x1BF5;
	[smem:$0x3FB7] =	sst s0  }
0x18: {  	s0 =	sld [smem:$0x3F9A];
	_ =	swait.ge [sflag:s4], $0x0  }
0x19: {  	s7 =	sld [smem:$0x3F9B]  }
0x1a: {  	s8 =	sadd.s32 $0xFFFFE003, lr  }
0x1b: {  	s9 =	sadd.s32 $0xFFFFFEF7, lr;
	s5 =	simm.s32 $0xFFFFFFFF;
	p2 =	slt.u32 s8, $0xFFFFF086  }
0x1c: {  	p1 =	slt.u32 s9, $0xF7A;
	s5 =	simm.s32 @!p2 $0x0  }
0x1d: {  	s5 =	simm.s32 @p1 $0x1;
	p0 =	seq.s32 s7, s2  }
0x1e: {  	s7 =	smul.u32 @!p0 $0xF7A, s2;
	p2 =	seq.s32 @!p0 s5, $0x0  }
0x1f: {  	s9 =	smul.u32 $0xF7A, s1;
	s8 =	simm.s32 @!p0 $0x1BF5;
	p2 =	por !p2, p0  }
0x20: {  	[sflag:s8] =	ssyncset.s32 @!p0 $0xFFFFF086;
	s6 =	sadd.s32 @!p0 s3, s7;
	s7 =	simm.s32 @!p0 $0x108  }
0x21: {  	s3 =	sadd.s32 s3, s9;
	s6 =	sadd.s32 @!p0 $0x88, s6;
	s7 =	simm.s32 @p2 $0x1082  }
0x22: {  	[simem:s7], [sflag:s8] =	dma.local @!p0 [hbm:s6], $0xF7A  }
0x23: {  	s9 =	sor.u32 $0xD0000000, s2;
	s6 =	simm.s32 $0x108;
	_ =	swait.ge @!p0 [sflag:s8], $0x0  }
0x24: {  	s3 =	sadd.s32 $0x88, s3;
	s6 =	simm.s32 @!p1 $0x1082;
	[sflag:s4] =	ssyncset.s32 $0xFFFFF086  }
0x25: {  	[simem:s6], [sflag:s4] =	dma.local [hbm:s3], $0xF7A  }
0x26: {  	[smem:$0x3F9B] =	sst s1;
	(tag) =	ssettag s2;
	_ =	strace s9  }
0x27: {  	s1 =	sld [smem:$0x3FAB]  }
0x28: {  	s2 =	sld [smem:$0x3FAC]  }
0x29: {  	s4 =	sld [smem:$0x3FAE]  }
0x2a: {  	p0 =	seq.s32 s5, $0x0;
	s5 =	sld [smem:$0x3FAF]  }
0x2b: {  	s6 =	sld [smem:$0x3FB0]  }
0x2c: {  	s7 =	sld [smem:$0x3FB1]  }
0x2d: {  	s3 =	simm.s32 $0x108;
	s8 =	sld [smem:$0x3FB2]  }
0x2e: {  	s3 =	simm.s32 @!p0 $0x1082;
	s9 =	sld [smem:$0x3FB3]  }
0x2f: {  	lr =	sadd.s32 s0, s3;
	s0 =	sld [smem:$0x3FAA]  }
0x30: {  	s3 =	sld [smem:$0x3FAD]  }
0x31: {  	[smem:$0x3FB6] =	sst s10  }
0x32: {  	s10 =	sld [smem:$0x3FB4];
	_ =	sdelay $0x3  }
0x33: {  	p0 =	seq.s32 s10, $0x1;
	s10 =	sld [smem:$0x3FB6];
	_ =	sdelay $0x3  }
0x34: {  	[smem:$0x3FB6] =	sst s10  }
0x35: {  	s10 =	sld [smem:$0x3FB5];
	_ =	sdelay $0x3  }
0x36: {  	p1 =	seq.s32 s10, $0x1;
	s10 =	sld [smem:$0x3FB6];
	_ =	sdelay $0x3  }
0x37: {  	[smem:$0x3FB6] =	sst s10  }
0x38: {  	s10 =	sld [smem:$0x3FB7]  }
0x39: {  	_ = 	snop;
	(pc) =	sbr.ind lr, $3  }
0x3a: {  	_ = 	snop  }
0x3b: {  	_ = 	snop  }
0x3c: {  	p2 =	seq.s32 s10, $0x1;
	s10 =	sld [smem:$0x3FB6]  }
0x3d: {  	_ =	shalt  }
0x3e: {  	_ =	shalt  }
0x3f: {  	_ =	shalt  }
0x40: {  	_ =	shalt  }
0x41: {  	_ =	shalt  }
0x42: {  	_ =	shalt  }
0x43: {  	_ =	shalt  }
0x44: {  	_ =	shalt  }
0x45: {  	_ =	shalt  }
0x46: {  	_ =	shalt  }
0x47: {  	_ =	shalt  }
0x48: {  	_ =	shalt  }
0x49: {  	_ =	shalt  }
0x4a: {  	_ =	shalt  }
0x4b: {  	_ =	shalt  }
0x4c: {  	_ =	shalt  }
0x4d: {  	_ =	shalt  }
0x4e: {  	_ =	shalt  }
0x4f: {  	_ =	shalt  }
0x50: {  	_ =	shalt  }
0x51: {  	_ =	shalt  }
0x52: {  	_ =	shalt  }
0x53: {  	_ =	shalt  }
0x54: {  	_ =	shalt  }
0x55: {  	_ =	shalt  }
0x56: {  	_ =	shalt  }
0x57: {  	_ =	shalt  }
0x58: {  	_ =	shalt  }
0x59: {  	_ =	shalt  }
0x5a: {  	_ =	shalt  }
0x5b: {  	_ =	shalt  }
0x5c: {  	_ =	shalt  }
0x5d: {  	_ =	shalt  }
0x5e: {  	_ =	shalt  }
0x5f: {  	_ =	shalt  }
0x60: {  	_ =	shalt  }
0x61: {  	_ =	shalt  }
0x62: {  	_ =	shalt  }
0x63: {  	_ =	shalt  }
0x64: {  	_ =	shalt  }
0x65: {  	_ =	shalt  }
0x66: {  	_ =	shalt  }
0x67: {  	_ =	shalt  }
0x68: {  	_ =	shalt  }
0x69: {  	_ =	shalt  }
0x6a: {  	_ =	shalt  }
0x6b: {  	_ =	shalt  }
0x6c: {  	_ =	shalt  }
0x6d: {  	_ =	shalt  }
0x6e: {  	_ =	shalt  }
0x6f: {  	_ =	shalt  }
0x70: {  	_ =	shalt  }
0x71: {  	_ =	shalt  }
0x72: {  	_ =	shalt  }
0x73: {  	_ =	shalt  }
0x74: {  	_ =	shalt  }
0x75: {  	_ =	shalt  }
0x76: {  	_ =	shalt  }
0x77: {  	_ =	shalt  }
0x78: {  	_ =	shalt  }
0x79: {  	_ =	shalt  }
0x7a: {  	_ =	shalt  }
0x7b: {  	_ =	shalt  }
0x7c: {  	_ =	shalt  }
0x7d: {  	_ =	shalt  }
0x7e: {  	_ =	shalt  }
0x7f: {  	_ =	shalt  }
0x80: {  	_ =	shalt  }
0x81: {  	_ =	shalt  }
0x82: {  	_ =	shalt  }
0x83: {  	_ =	shalt  }
0x84: {  	_ =	shalt  }
0x85: {  	_ =	shalt  }
0x86: {  	_ =	shalt  }
0x87: {  	_ =	shalt  }
.Lfunc_end0:
.L_simem_size_0:
called_computation_lowered:
.L_overlay_start_0:
0x88: {  	s2 =	sld [smem:$0x3FD9]  }
0x89: {  	s3 =	sld [smem:$0x3FFE];
	_ =	sdelay $0x1  }
0x8a: {  	s1 =	srdreg.scid  }
0x8b: {  	s0 =	sand.u32 $0x1, s1  }
0x8c: {  	s14 =	sshll.u32 s0, $0xA;
	s2 =	sadd.s32 s3, s2  }
0x8d: {  	s2 =	sadd.s32 s2, s14  }
0x8e: {  	[smem:$0x3FC2] =	sst s2  }
0x8f: {  	_ = 	snop  }
0x90: {  	s2 =	sld [smem:$0x3FD0];
	_ =	sdelay $0x2  }
0x91: {  	s15 =	simm.s32 $0xA;
	s4 =	simm.s32 $0x10  }
0x92: {  	[smem:s4], [sflag:s15] =	dma.local [hbm:s2], $0x1  }
0x93: {  	_ =	swait.eq [sflag:s15], $0x1  }
0x94: {  	[sflag:s15] =	ssyncset.done $0x0  }
0x95: {  	[sflag:s15] =	ssyncadd.s32 $0xFFFFFFFF  }
0x96: {  	s16 =	sld [smem:$0x11];
	(tm) =	ssettm $0x1  }
0x97: {  	s17 =	sld [smem:$0x3FFB];
	_ =	sdelay $0x3  }
0x98: {  	_ =	strace s17  }
0x99: {  	s3 =	sld [smem:$0x3FFC];
	_ =	sdelay $0x3  }
0x9a: {  	_ =	strace s3  }
0x9b: {  	s3 =	sld [smem:$0x3FFD];
	_ =	sdelay $0x3  }
0x9c: {  	_ =	strace s3  }
0x9d: {  	_ =	strace $0x8FFFFFFF  }
0x9e: {  	s18 =	sld [smem:$0x3FDB];
	_ =	sdelay $0x1  }
0x9f: {  	s19 =	simm.s32 $_scs_section_size  }
0xa0: {  	s5 =	simm.s32 $_size__tile_overlayer_lowered;
	s6 =	simm.s32 $_tile_overlayer_lowered  }
0xa1: {  	s22 =	simm.s32 $0x1BFF;
	s21 =	sshll.u32 s6, $0x1;
	s3 =	sadd.s32 s19, s18  }
0xa2: {  	s7 =	simm.s32 $0x0;
	s20 =	sshll.u32 s5, $0x1;
	s5 =	sadd.s32 s21, s3  }
0xa3: {  	[timem:s7], [sflag:s22] =	dma.local [hbm:s5], s20  }
0xa4: {  	_ =	swait.ge [sflag:s22], s20  }
0xa5: {  	s4 =	ssub.s32 $0x0, s20;
	[sflag:s22] =	ssyncset.done $0x0  }
0xa6: {  	[sflag:s22] =	ssyncadd.s32 s4;
	_ =	sdelay $0x1  }
0xa7: {  	s23 =	simm.s32 $0x1B8B  }
0xa8: {  	_ =	swait.ge [sflag:s23], $0x1  }
0xa9: {  	[sflag:s23] =	ssyncset.done $0x0  }
0xaa: {  	s25 =	simm.s32 $0x1B8E;
	s24 =	sld [smem:$0x3FFE];
	[sflag:s23] =	ssyncadd.s32 $0xFFFFFFFF  }
0xab: {  	s26 =	simm.s32 $execute0_lowered;
	[smem:$0x3FD2] =	sst s25  }
0xac: {  	s5 =	sshll.u32 s26, $0x1;
	_ =	strace $0x80000046;
	[dreg:$0x1] =	wrdreg $0xFFFFFFFF  }
0xad: {  	s28 =	simm.s32 $_size_execute0_lowered;
	s3 =	sadd.s32 s3, s5;
	[dreg:$0x0] =	wrdreg $0x0  }
0xae: {  	s5 =	sshll.u32 s28, $0x1;
	[dreg:$0x2] =	wrdreg s3  }
0xaf: {  	[dreg:$0x3] =	wrdreg s5  }
0xb0: {  	[dreg:$0x4] =	wrdreg $0xC0  }
0xb1: {  	_ =	task [dreg:s7], $0x5FFFF  }
0xb2: {  	[dreg:$0x1] =	wrdreg $0xFFFFFFFF  }
0xb3: {  	[dreg:$0x0] =	wrdreg $0x60  }
0xb4: {  	[dreg:$0x2] =	wrdreg s16  }
0xb5: {  	[dreg:$0x3] =	wrdreg s24  }
0xb6: {  	[dreg:$0x4] =	wrdreg $0x50000  }
0xb7: {  	[dreg:$0x5] =	wrdreg $0x9  }
0xb8: {  	_ =	task.clear_ibuf [dreg:s7], $0x6FFFF;
	_ =	strace $0x90000046  }
0xb9: {  	s29 =	simm.s32 $0x9;
	_ =	strace $0x80000048  }
0xba: {  	_ =	swait.ge [sflag:s29], $0x1  }
0xbb: {  	[sflag:s29] =	ssyncadd.s32 $0xFFFFFFFF  }
0xbc: {  	_ =	strace $0x90000048  }
0xbd: {  	_ =	sfence  }
0xbe: {  	s30 =	sld [smem:$0x0];
	_ =	sdelay $0x2  }
0xbf: {  	s31 =	sshll.u32 s1, $0xD;
	s1 =	sshrl.u32 s1, $0x2  }
0xc0: {  	s3 =	sand.u32 $0x4000, s31;
	s1 =	sadd.s32 s1, s30  }
0xc1: {  	s0 =	sor.u32 s3, s0;
	s1 =	sshll.u32 s1, $0x11  }
0xc2: {  	s0 =	sor.u32 s1, s0  }
0xc3: {  	s0 =	sadd.s32 $0x8F2B, s0  }
0xc4: {  	[sflag:s0] =	ssyncadd.remote.s32 $0x1  }
0xc5: {  	_ =	sfence.sel $0xFFFF  }
0xc6: {  	[dreg:$0x0] =	wrdreg $0xFFFFFFFF;
	(pc) =	sbr.abs _section_cstart, $3  }
0xc7: {  	[dreg:$0x1] =	wrdreg $0xFFFFFFFF  }
0xc8: {  	_ =	task.clear_ibuf [dreg:s7], $0x2FFFF;
	_ =	strace $0x9FFFFFFF  }
0xc9: {  	(tm) =	ssettm $0x7FFFFFFF  }
tec
execute0_lowered:
.L_overlay_start_1:
0x0: {  	(tag) =	ssettag $0x1  }
0x1: {  	s4 =	rddreg [dreg:$0x0]  }
0x2: {  	s5 =	rddreg [dreg:$0x1]  }
0x3: {  	s1 =	rddreg [dreg:$0x2]  }
0x4: {  	s0 =	rddreg [dreg:$0x3];
	s2 =	simm.s32 $0x0;
	s3 =	srdreg.scid  }
0x5: {  	s7 =	stileid.u32;
	s12 =	simm.s32 $0x50;
	s13 =	simm.s32 $0x4F80  }
0x6: {  	s14 =	simm.s32 $0x0;
	[smem:$0x7FF] =	sst s2;
	s3 =	sand.u32 $0x1, s3  }
0x7: {  	s6 =	sshrl.u32 s7, $0x2;
	s8 =	sshll.u32 s7, $0x8;
	p0 =	sne.s32 s7, $0x0  }
0x8: {  	s7 =	simm.s32 $0x2780;
	_ =	strace $0x80000047;
	s6 =	smul.u32 $0x13C00, s6  }
0x9: {  	s9 =	sshll.u32 s3, $0x7;
	s8 =	sand.u32 $0x300, s8;
	s10 =	smul.u32 $0x500, s3  }
0xa: {  	s11 =	ssub.s32 $0x2, s3;
	s3 =	sadd.s32 $0x2000, s5;
	s8 =	sor.u32 s9, s8  }
0xb: {  	s30 =	sshrl.u32 s11, $0x1;
	s9 =	sshrl.u32 @!p0 s1, $0x3;
	s6 =	sor.u32 s6, s8  }
0xc: {  	v0 =	vlaneseq.u32;
	s5 =	sadd.s32 s10, s5;
	s31 =	ssub.s32 s11, s30;
	s8 =	simm.s32 $0x1  }
0xd: {  	v5 =	vimm.f32 $1.000000000e+00;
	v1 =	vor.u32 $0x10, v0;
	s10 =	simm.s32 $0x80;
	s11 =	simm.s32 $0x400;
	s6 =	sshrl.u32 s6, $0x3  }
0xe: {  	v2 =	vor.u32 $0x20, v0;
	v3 =	vor.u32 $0x30, v0;
	v4 =	vor.u32 $0x40, v0;
	s5 =	sadd.s32 $0x2600, s5;
	s4 =	sadd.s32 s4, s6;
	s6 =	smax.u32 s31, $0x1  }
.LBB2_1:
0xf: {  	[tilespmem:s7], [sflag:$0x1] =	stream.linear.gather [hbm4b:s3+s2], $0x2800, $0x38;
	[tilespmem:$0x5280] =	vst v63  }
0x10: {  	_ =	swait.ge [sflag:s8], $0x2800  }
0x11: {  	[sflag:s8] =	ssyncset.done $0x0  }
0x12: {  	s15 =	simm.s32 @!p0 $0x1C01;
	[sflag:s8] =	ssyncadd.s32 $0xFFFFD800  }
0x13: {  	[spmem:s9], [sflag:s15] =	dma.local @!p0 [hbm:s3], $0x500  }
0x14: {  	s15 =	simm.s32 @!p0 $0x1  }
0x15: {  	_ =	swait.ge @!p0 [sflag:s15], $0x500  }
0x16: {  	[sflag:s15] =	ssyncset.done @!p0 $0x0  }
0x17: {  	[sflag:s15] =	ssyncadd.s32 @!p0 $0xFFFFFB00  }
0x18: {  	[tilespmem:$0x4F80] =	vst v0  }
0x19: {  	[tilespmem:$0x4F90] =	vst v1  }
0x1a: {  	[tilespmem:$0x4FA0] =	vst v2  }
0x1b: {  	[tilespmem:$0x4FB0] =	vst v3  }
0x1c: {  	[tilespmem:$0x4FC0] =	vst v4  }
0x1d: {  	[tilespmem:s2], [sflag:$0x1] =	stream.strided.gather [hbm4b:s4+s10], $0x2780, s11, s10, $0x38;
	[tilespmem:$0x5280] =	vst v63  }
0x1e: {  	_ =	swait.ge [sflag:s8], $0x2780  }
0x1f: {  	[sflag:s8] =	ssyncset.done $0x0  }
0x20: {  	s16 =	simm.s32 $0x0;
	s15 =	simm.s32 $0x40;
	[sflag:s8] =	ssyncadd.s32 $0xFFFFD880  }
.LBB2_2:
0x21: {  	p1 =	sne.s32 s15, $0x9C00;
	v6 =	vld [tilespmem:s16+$0x0];
	_ =	sdelay $0x3  }
.Ltmp0:
0x22: {  	(pc) =	sbr.rel @p1 .LBB2_2-.Ltmp0, $2  }
0x23: {  	_ =	sdelay $0x2  }
0x24: {  	s16 =	sshra.s32 s15, $0x2;
	s15 =	sadd.s32 $0x40, s15;
	[tilespmem:v6+s7+$0x0] =	vst.idx.add.f32.msk $0xffff, v5  }
0x25: {  	v6 =	vld [tilespmem:s16+$0x0];
	_ =	sdelay $0x7  }
0x26: {  	[tilespmem:v6+s7+$0x0] =	vst.idx.add.f32.msk $0xffff, v5  }
0x27: {  	[bflag:$0x0] =	sbarrier.arrive $0xFFFF  }
0x28: {  	[spmem:s1] =	stream.indirect.scatter.add.f32 [tilespmem:s7], [sflag:$0x1], $0x80, s13, s12, $0xb8;
	[tilespmem:$0x5280] =	vst v63  }
0x29: {  	_ =	swait.ge [sflag:s8], $0x2800  }
0x2a: {  	[sflag:s8] =	ssyncset.done $0x0  }
0x2b: {  	s14 =	sadd.s32 $0x1, s14;
	[sflag:s8] =	ssyncadd.s32 $0xFFFFD800  }
0x2c: {  	s15 =	simm.s32 @!p0 $0x1C01;
	p1 =	sne.s32 s14, s6;
	[bflag:$0x0] =	sbarrier.arrive $0xFFFF  }
0x2d: {  	[hbm:s5], [sflag:s15] =	dma.local @!p0 [spmem:s9], $0x500  }
.Ltmp1:
0x2e: {  	_ = 	snop;
	(pc) =	sbr.rel @p1 .LBB2_1-.Ltmp1, $4  }
0x2f: {  	s15 =	simm.s32 @!p0 $0x1  }
0x30: {  	_ =	swait.ge @!p0 [sflag:s15], $0x500  }
0x31: {  	[sflag:s15] =	ssyncset.done @!p0 $0x0  }
0x32: {  	[sflag:s15] =	ssyncadd.s32 @!p0 $0xFFFFFB00  }
0x33: {  	_ =	sfence.sel $0x180000  }
0x34: {  	[bflag:$0x0] =	sbarrier.arrive $0xFFFF  }
0x35: {  	_ =	strace $0x90000047  }
0x36: {  	s0 =	sadd.s32 @!p0 $0x100000, s0;
	[bflag:$0x2] =	sbarrier.arrive $0xFFFF  }
0x37: {  	[sflag:s0] =	ssyncadd.tile.s32 @!p0 $0x1;
	_ =	shalt  }
.Lfunc_end2:
_tile_overlayer_lowered:
.L_overlay_start_2:
0x38: {  	(tag) =	ssettag $0x2  }
0x39: {  	s0 =	rddreg [dreg:$0x0];
	s2 =	stileid.u32  }
0x3a: {  	s1 =	rddreg [dreg:$0x1];
	p0 =	sne.s32 s2, $0x0  }
0x3b: {  	s3 =	rddreg [dreg:$0x2];
	[bflag:$0x3] =	sbarrier.arrive $0xFFFF;
	s2 =	simm.s32 @!p0 $0x1C01  }
0x3c: {  	[timem:s3], [sflag:s2] =	dma.local @!p0 [hbm:s0], s1  }
0x3d: {  	s0 =	simm.s32 @!p0 $0x1  }
0x3e: {  	_ =	swait.ge @!p0 [sflag:s0], s1  }
0x3f: {  	s1 =	ssub.s32 @!p0 $0x0, s1;
	[sflag:s0] =	ssyncset.done @!p0 $0x0  }
0x40: {  	[sflag:s0] =	ssyncadd.s32 @!p0 s1  }
0x41: {  	[bflag:$0x3] =	sbarrier.arrive $0xFFFF  }
0x42: {  	_ =	shalt  }

// kernel: kernel.9.cloned.1.call-start
scs
__scs_entry_jumppad:
0x0: {  	(pc) =	sbr.rel $0x88, $3  }
0x1: {  	(tag) =	ssettag $0x0;
	lr =	simm.s32 $0x1  }
0x2: {  	[smem:$0x3F9B] =	sst lr;
	_ =	strace $0xD0000000  }
0x3: {  	_ = 	snop  }
0x4: {  	_ = 	snop  }
0x5: {  	_ = 	snop  }
0x6: {  	_ = 	snop  }
0x7: {  	_ = 	snop  }
__scs_overlays_trampoline_lowered:
0x8: {  	[smem:$0x3FAA] =	sst s0  }
0x9: {  	[smem:$0x3FAB] =	sst s1  }
0xa: {  	[smem:$0x3FAC] =	sst s2  }
0xb: {  	[smem:$0x3FAD] =	sst s3  }
0xc: {  	[smem:$0x3FAE] =	sst s4  }
0xd: {  	[smem:$0x3FAF] =	sst s5  }
0xe: {  	[smem:$0x3FB0] =	sst s6  }
0xf: {  	[smem:$0x3FB1] =	sst s7  }
0x10: {  	[smem:$0x3FB2] =	sst s8  }
0x11: {  	[smem:$0x3FB3] =	sst s9;
	s0 =	simm.s32 @!p0 $0x0  }
0x12: {  	s1 =	sld [smem:$0x3F99];
	s0 =	simm.s32 @p0 $0x1  }
0x13: {  	[smem:$0x3FB4] =	sst s0;
	s0 =	simm.s32 @!p1 $0x0  }
0x14: {  	s2 =	sld [smem:$0x3F98];
	s0 =	simm.s32 @p1 $0x1  }
0x15: {  	[smem:$0x3FB5] =	sst s0;
	s0 =	simm.s32 @!p2 $0x0  }
0x16: {  	s3 =	sld [smem:$0x3FDB];
	s0 =	simm.s32 @p2 $0x1  }
0x17: {  	s4 =	simm.s32 $0x1BF5;
	[smem:$0x3FB7] =	sst s0  }
0x18: {  	s0 =	sld [smem:$0x3F9A];
	_ =	swait.ge [sflag:s4], $0x0  }
0x19: {  	s7 =	sld [smem:$0x3F9B]  }
0x1a: {  	s8 =	sadd.s32 $0xFFFFE003, lr  }
0x1b: {  	s9 =	sadd.s32 $0xFFFFFEF7, lr;
	s5 =	simm.s32 $0xFFFFFFFF;
	p2 =	slt.u32 s8, $0xFFFFF086  }
0x1c: {  	p1 =	slt.u32 s9, $0xF7A;
	s5 =	simm.s32 @!p2 $0x0  }
0x1d: {  	s5 =	simm.s32 @p1 $0x1;
	p0 =	seq.s32 s7, s2  }
0x1e: {  	s7 =	smul.u32 @!p0 $0xF7A, s2;
	p2 =	seq.s32 @!p0 s5, $0x0  }
0x1f: {  	s9 =	smul.u32 $0xF7A, s1;
	s8 =	simm.s32 @!p0 $0x1BF5;
	p2 =	por !p2, p0  }
0x20: {  	[sflag:s8] =	ssyncset.s32 @!p0 $0xFFFFF086;
	s6 =	sadd.s32 @!p0 s3, s7;
	s7 =	simm.s32 @!p0 $0x108  }
0x21: {  	s3 =	sadd.s32 s3, s9;
	s6 =	sadd.s32 @!p0 $0x88, s6;
	s7 =	simm.s32 @p2 $0x1082  }
0x22: {  	[simem:s7], [sflag:s8] =	dma.local @!p0 [hbm:s6], $0xF7A  }
0x23: {  	s9 =	sor.u32 $0xD0000000, s2;
	s6 =	simm.s32 $0x108;
	_ =	swait.ge @!p0 [sflag:s8], $0x0  }
0x24: {  	s3 =	sadd.s32 $0x88, s3;
	s6 =	simm.s32 @!p1 $0x1082;
	[sflag:s4] =	ssyncset.s32 $0xFFFFF086  }
0x25: {  	[simem:s6], [sflag:s4] =	dma.local [hbm:s3], $0xF7A  }
0x26: {  	[smem:$0x3F9B] =	sst s1;
	(tag) =	ssettag s2;
	_ =	strace s9  }
0x27: {  	s1 =	sld [smem:$0x3FAB]  }
0x28: {  	s2 =	sld [smem:$0x3FAC]  }
0x29: {  	s4 =	sld [smem:$0x3FAE]  }
0x2a: {  	p0 =	seq.s32 s5, $0x0;
	s5 =	sld [smem:$0x3FAF]  }
0x2b: {  	s6 =	sld [smem:$0x3FB0]  }
0x2c: {  	s7 =	sld [smem:$0x3FB1]  }
0x2d: {  	s3 =	simm.s32 $0x108;
	s8 =	sld [smem:$0x3FB2]  }
0x2e: {  	s3 =	simm.s32 @!p0 $0x1082;
	s9 =	sld [smem:$0x3FB3]  }
0x2f: {  	lr =	sadd.s32 s0, s3;
	s0 =	sld [smem:$0x3FAA]  }
0x30: {  	s3 =	sld [smem:$0x3FAD]  }
0x31: {  	[smem:$0x3FB6] =	sst s10  }
0x32: {  	s10 =	sld [smem:$0x3FB4];
	_ =	sdelay $0x3  }
0x33: {  	p0 =	seq.s32 s10, $0x1;
	s10 =	sld [smem:$0x3FB6];
	_ =	sdelay $0x3  }
0x34: {  	[smem:$0x3FB6] =	sst s10  }
0x35: {  	s10 =	sld [smem:$0x3FB5];
	_ =	sdelay $0x3  }
0x36: {  	p1 =	seq.s32 s10, $0x1;
	s10 =	sld [smem:$0x3FB6];
	_ =	sdelay $0x3  }
0x37: {  	[smem:$0x3FB6] =	sst s10  }
0x38: {  	s10 =	sld [smem:$0x3FB7]  }
0x39: {  	_ = 	snop;
	(pc) =	sbr.ind lr, $3  }
0x3a: {  	_ = 	snop  }
0x3b: {  	_ = 	snop  }
0x3c: {  	p2 =	seq.s32 s10, $0x1;
	s10 =	sld [smem:$0x3FB6]  }
0x3d: {  	_ =	shalt  }
0x3e: {  	_ =	shalt  }
0x3f: {  	_ =	shalt  }
0x40: {  	_ =	shalt  }
0x41: {  	_ =	shalt  }
0x42: {  	_ =	shalt  }
0x43: {  	_ =	shalt  }
0x44: {  	_ =	shalt  }
0x45: {  	_ =	shalt  }
0x46: {  	_ =	shalt  }
0x47: {  	_ =	shalt  }
0x48: {  	_ =	shalt  }
0x49: {  	_ =	shalt  }
0x4a: {  	_ =	shalt  }
0x4b: {  	_ =	shalt  }
0x4c: {  	_ =	shalt  }
0x4d: {  	_ =	shalt  }
0x4e: {  	_ =	shalt  }
0x4f: {  	_ =	shalt  }
0x50: {  	_ =	shalt  }
0x51: {  	_ =	shalt  }
0x52: {  	_ =	shalt  }
0x53: {  	_ =	shalt  }
0x54: {  	_ =	shalt  }
0x55: {  	_ =	shalt  }
0x56: {  	_ =	shalt  }
0x57: {  	_ =	shalt  }
0x58: {  	_ =	shalt  }
0x59: {  	_ =	shalt  }
0x5a: {  	_ =	shalt  }
0x5b: {  	_ =	shalt  }
0x5c: {  	_ =	shalt  }
0x5d: {  	_ =	shalt  }
0x5e: {  	_ =	shalt  }
0x5f: {  	_ =	shalt  }
0x60: {  	_ =	shalt  }
0x61: {  	_ =	shalt  }
0x62: {  	_ =	shalt  }
0x63: {  	_ =	shalt  }
0x64: {  	_ =	shalt  }
0x65: {  	_ =	shalt  }
0x66: {  	_ =	shalt  }
0x67: {  	_ =	shalt  }
0x68: {  	_ =	shalt  }
0x69: {  	_ =	shalt  }
0x6a: {  	_ =	shalt  }
0x6b: {  	_ =	shalt  }
0x6c: {  	_ =	shalt  }
0x6d: {  	_ =	shalt  }
0x6e: {  	_ =	shalt  }
0x6f: {  	_ =	shalt  }
0x70: {  	_ =	shalt  }
0x71: {  	_ =	shalt  }
0x72: {  	_ =	shalt  }
0x73: {  	_ =	shalt  }
0x74: {  	_ =	shalt  }
0x75: {  	_ =	shalt  }
0x76: {  	_ =	shalt  }
0x77: {  	_ =	shalt  }
0x78: {  	_ =	shalt  }
0x79: {  	_ =	shalt  }
0x7a: {  	_ =	shalt  }
0x7b: {  	_ =	shalt  }
0x7c: {  	_ =	shalt  }
0x7d: {  	_ =	shalt  }
0x7e: {  	_ =	shalt  }
0x7f: {  	_ =	shalt  }
0x80: {  	_ =	shalt  }
0x81: {  	_ =	shalt  }
0x82: {  	_ =	shalt  }
0x83: {  	_ =	shalt  }
0x84: {  	_ =	shalt  }
0x85: {  	_ =	shalt  }
0x86: {  	_ =	shalt  }
0x87: {  	_ =	shalt  }
.Lfunc_end0:
.L_simem_size_0:
called_computation.1_lowered:
.L_overlay_start_0:
0x88: {  	s2 =	sld [smem:$0x3FD9]  }
0x89: {  	s3 =	sld [smem:$0x3FFE];
	_ =	sdelay $0x1  }
0x8a: {  	s1 =	srdreg.scid  }
0x8b: {  	s0 =	sand.u32 $0x1, s1  }
0x8c: {  	s14 =	sshll.u32 s0, $0xA;
	s2 =	sadd.s32 s3, s2  }
0x8d: {  	s2 =	sadd.s32 s2, s14  }
0x8e: {  	[smem:$0x3FC2] =	sst s2  }
0x8f: {  	_ = 	snop  }
0x90: {  	s2 =	sld [smem:$0x3FD0];
	_ =	sdelay $0x2  }
0x91: {  	s15 =	simm.s32 $0xA;
	s4 =	simm.s32 $0x10  }
0x92: {  	[smem:s4], [sflag:s15] =	dma.local [hbm:s2], $0x1  }
0x93: {  	_ =	swait.eq [sflag:s15], $0x1  }
0x94: {  	[sflag:s15] =	ssyncset.done $0x0  }
0x95: {  	s16 =	sld [smem:$0x10];
	[sflag:s15] =	ssyncadd.s32 $0xFFFFFFFF  }
0x96: {  	s17 =	sld [smem:$0x11];
	(tm) =	ssettm $0x1  }
0x97: {  	s18 =	sld [smem:$0x3FFB];
	_ =	sdelay $0x3  }
0x98: {  	_ =	strace s18  }
0x99: {  	s4 =	sld [smem:$0x3FFC];
	_ =	sdelay $0x3  }
0x9a: {  	_ =	strace s4  }
0x9b: {  	s4 =	sld [smem:$0x3FFD];
	_ =	sdelay $0x3  }
0x9c: {  	_ =	strace s4  }
0x9d: {  	_ =	strace $0x8FFFFFFF  }
0x9e: {  	s19 =	sld [smem:$0x3FDB];
	_ =	sdelay $0x1  }
0x9f: {  	s5 =	simm.s32 $_scs_section_size  }
0xa0: {  	s6 =	simm.s32 $_size__tile_overlayer_lowered;
	s7 =	simm.s32 $_tile_overlayer_lowered  }
0xa1: {  	s22 =	simm.s32 $0x1BFF;
	s21 =	sshll.u32 s7, $0x1;
	s4 =	sadd.s32 s5, s19  }
0xa2: {  	s8 =	simm.s32 $0x0;
	s20 =	sshll.u32 s6, $0x1;
	s6 =	sadd.s32 s21, s4  }
0xa3: {  	[timem:s8], [sflag:s22] =	dma.local [hbm:s6], s20  }
0xa4: {  	_ =	swait.ge [sflag:s22], s20  }
0xa5: {  	s5 =	ssub.s32 $0x0, s20;
	[sflag:s22] =	ssyncset.done $0x0  }
0xa6: {  	[sflag:s22] =	ssyncadd.s32 s5;
	_ =	sdelay $0x1  }
0xa7: {  	s23 =	simm.s32 $0x1B8B  }
0xa8: {  	_ =	swait.ge [sflag:s23], $0x1  }
0xa9: {  	[sflag:s23] =	ssyncset.done $0x0  }
0xaa: {  	s25 =	simm.s32 $0x1B8E;
	s24 =	sld [smem:$0x3FFE];
	[sflag:s23] =	ssyncadd.s32 $0xFFFFFFFF  }
0xab: {  	s26 =	simm.s32 $execute0_lowered;
	[smem:$0x3FD2] =	sst s25  }
0xac: {  	s6 =	sshll.u32 s26, $0x1;
	_ =	strace $0x80000049;
	[dreg:$0x1] =	wrdreg $0xFFFFFFFF  }
0xad: {  	s28 =	simm.s32 $_size_execute0_lowered;
	s4 =	sadd.s32 s4, s6;
	[dreg:$0x0] =	wrdreg $0x0  }
0xae: {  	s6 =	sshll.u32 s28, $0x1;
	[dreg:$0x2] =	wrdreg s4  }
0xaf: {  	[dreg:$0x3] =	wrdreg s6  }
0xb0: {  	[dreg:$0x4] =	wrdreg $0xC0  }
0xb1: {  	_ =	task [dreg:s8], $0x5FFFF  }
0xb2: {  	[dreg:$0x1] =	wrdreg $0xFFFFFFFF  }
0xb3: {  	[dreg:$0x0] =	wrdreg $0x60  }
0xb4: {  	[dreg:$0x2] =	wrdreg s17  }
0xb5: {  	[dreg:$0x3] =	wrdreg s16  }
0xb6: {  	[dreg:$0x4] =	wrdreg s24  }
0xb7: {  	[dreg:$0x5] =	wrdreg $0x52000  }
0xb8: {  	[dreg:$0x6] =	wrdreg $0x9  }
0xb9: {  	_ =	task.clear_ibuf [dreg:s8], $0x7FFFF;
	_ =	strace $0x90000049  }
0xba: {  	s29 =	simm.s32 $0x9;
	_ =	strace $0x8000004B  }
0xbb: {  	_ =	swait.ge [sflag:s29], $0x1  }
0xbc: {  	[sflag:s29] =	ssyncadd.s32 $0xFFFFFFFF  }
0xbd: {  	_ =	strace $0x9000004B  }
0xbe: {  	_ =	sfence  }
0xbf: {  	s30 =	sld [smem:$0x0];
	_ =	sdelay $0x2  }
0xc0: {  	s31 =	sshll.u32 s1, $0xD;
	s1 =	sshrl.u32 s1, $0x2  }
0xc1: {  	s3 =	sand.u32 $0x4000, s31;
	s1 =	sadd.s32 s1, s30  }
0xc2: {  	s0 =	sor.u32 s3, s0;
	s1 =	sshll.u32 s1, $0x11  }
0xc3: {  	s0 =	sor.u32 s1, s0  }
0xc4: {  	s0 =	sadd.s32 $0x8F2B, s0  }
0xc5: {  	[sflag:s0] =	ssyncadd.remote.s32 $0x1  }
0xc6: {  	_ =	sfence.sel $0xFFFF  }
0xc7: {  	[dreg:$0x0] =	wrdreg $0xFFFFFFFF;
	(pc) =	sbr.abs _section_cstart, $3  }
0xc8: {  	[dreg:$0x1] =	wrdreg $0xFFFFFFFF  }
0xc9: {  	_ =	task.clear_ibuf [dreg:s8], $0x2FFFF;
	_ =	strace $0x9FFFFFFF  }
0xca: {  	(tm) =	ssettm $0x7FFFFFFF  }
0xcb: {  	_ =	shalt  }
tec
execute0_lowered:
.L_overlay_start_1:
0x0: {  	(tag) =	ssettag $0x1  }
0x1: {  	s1 =	rddreg [dreg:$0x0]  }
0x2: {  	s2 =	rddreg [dreg:$0x1]  }
0x3: {  	s7 =	rddreg [dreg:$0x2]  }
0x4: {  	s3 =	rddreg [dreg:$0x3];
	s4 =	srdreg.scid  }
0x5: {  	s0 =	rddreg [dreg:$0x4];
	s5 =	simm.s32 $0x0;
	s17 =	simm.s32 $0x100  }
0x6: {  	s18 =	simm.s32 $0x50;
	s19 =	simm.s32 $0x200;
	s20 =	simm.s32 $0x2  }
0x7: {  	s21 =	simm.s32 $0x2A00;
	s22 =	simm.s32 $0x3;
	s8 =	sand.u32 $0x1, s4  }
0x8: {  	s23 =	simm.s32 $0x80;
	s4 =	stileid.u32;
	s6 =	smul.u32 $0x140000, s8  }
0x9: {  	s24 =	simm.s32 $0x4;
	[smem:$0x7FF] =	sst s5;
	s9 =	smul.u32 $0x14000, s4  }
0xa: {  	s25 =	simm.s32 $0x180;
	_ =	strace $0x8000004A;
	s11 =	smul.u32 $0x50000, s4  }
0xb: {  	s10 =	sshll.u32 s4, $0x1;
	s26 =	ssub.s32 $0x2, s8;
	s28 =	smul.u32 $0xFC00, s4  }
0xc: {  	s30 =	sshll.u32 s4, $0x6;
	s10 =	sor.u32 s8, s10;
	s13 =	sshrl.u32 s26, $0x1  }
0xd: {  	s8 =	smul.u32 $0x7E00, s8;
	s9 =	sadd.s32 s9, s6;
	s6 =	sadd.s32 $0x2000, s7  }
0xe: {  	s10 =	smul.u32 $0x7E00, s10;
	s11 =	sshrl.u32 s11, $0x2;
	s13 =	ssub.s32 s26, s13  }
0xf: {  	s26 =	simm.s32 $0x0;
	s9 =	sshrl.u32 s9, $0x3;
	s14 =	sadd.s32 s11, s3  }
0x10: {  	s15 =	sadd.s32 s8, s28;
	s8 =	sor.u32 $0x1C05, s30;
	s11 =	smax.u32 s13, $0x1  }
0x11: {  	s12 =	sadd.s32 s9, s7;
	s29 =	sshrl.u32 s10, $0x3;
	s16 =	sadd.s32 $0x300, s15  }
0x12: {  	s13 =	sadd.s32 $0x200, s15;
	s14 =	sshrl.u32 s14, $0x3;
	s15 =	simm.s32 $0x5  }
0x13: {  	s7 =	sadd.s32 s2, s29;
	s10 =	sadd.s32 $0x4800, s12;
	s31 =	sshrl.u32 s16, $0x3  }
0x14: {  	s16 =	simm.s32 $0x1;
	s9 =	sadd.s32 $0x20, s7;
	s12 =	sadd.s32 s31, s2  }
.LBB2_1:
0x15: {  	[spmem:s14], [sflag:s8] =	dma.local [hbm:s6], $0x2800  }
0x16: {  	_ =	swait.ge [sflag:s15], $0x2800  }
0x17: {  	[sflag:s15] =	ssyncset.done $0x0  }
0x18: {  	[sflag:s15] =	ssyncadd.s32 $0xFFFFD800  }
0x19: {  	[bflag:$0x0] =	sbarrier.arrive $0xFFFF  }
0x1a: {  	[tilespmem:s5], [sflag:$0x1] =	stream.linear.gather [hbm4b:s7+s5], $0x100, $0x38;
	[tilespmem:$0x19200] =	vst v63  }
0x1b: {  	_ =	swait.ge [sflag:s16], $0x100  }
0x1c: {  	[sflag:s16] =	ssyncset.done $0x0  }
0x1d: {  	[sflag:s16] =	ssyncadd.s32 $0xFFFFFF00  }
0x1e: {  	[tilespmem:s17], [sflag:$0x2] =	stream.linear.gather [hbm4b:s9+s5], $0x100, $0x38;
	[tilespmem:$0x19200] =	vst v63  }
0x1f: {  	_ = 	snop  }
0x20: {  	[tilespmem:s19], [sflag:$0x3] =	stream.indirect.gather [hbm4b:s1+s18], $0x80, s5, s18, $0xb8;
	[tilespmem:$0x19200] =	vst v63  }
0x21: {  	_ =	swait.ge [sflag:s20], $0x100  }
0x22: {  	[sflag:s20] =	ssyncset.done $0x0  }
0x23: {  	[sflag:s20] =	ssyncadd.s32 $0xFFFFFF00  }
0x24: {  	[tilespmem:s21], [sflag:$0x4] =	stream.indirect.gather [hbm4b:s1+s18], $0x80, s17, s18, $0xb8;
	[tilespmem:$0x19200] =	vst v63  }
0x25: {  	_ =	swait.ge [sflag:s22], $0x2800  }
0x26: {  	[sflag:s22] =	ssyncset.done $0x0  }
0x27: {  	[sflag:s22] =	ssyncadd.s32 $0xFFFFD800  }
0x28: {  	[spmem:s3] =	stream.indirect.scatter.add.f32 [tilespmem:s19], [sflag:$0x5], $0x80, s23, s18, $0xb8;
	[tilespmem:$0x19200] =	vst v63  }
0x29: {  	_ =	swait.ge [sflag:s15], $0x2800  }
0x2a: {  	s28 =	sshrl.u32 s13, $0x3;
	[sflag:s15] =	ssyncset.done $0x0  }
0x2b: {  	s28 =	sadd.s32 s2, s28;
	[sflag:s15] =	ssyncadd.s32 $0xFFFFD800  }
0x2c: {  	[tilespmem:s5], [sflag:$0x1] =	stream.linear.gather [hbm4b:s28+s5], $0x100, $0x38;
	[tilespmem:$0x19200] =	vst v63  }
0x2d: {  	_ =	swait.ge [sflag:s16], $0x100  }
0x2e: {  	[sflag:s16] =	ssyncset.done $0x0  }
0x2f: {  	[sflag:s16] =	ssyncadd.s32 $0xFFFFFF00  }
0x30: {  	[tilespmem:s19], [sflag:$0x3] =	stream.indirect.gather [hbm4b:s1+s18], $0x80, s5, s18, $0xb8;
	[tilespmem:$0x19200] =	vst v63  }
0x31: {  	_ =	swait.ge [sflag:s24], $0x2800  }
0x32: {  	[sflag:s24] =	ssyncset.done $0x0  }
0x33: {  	[sflag:s24] =	ssyncadd.s32 $0xFFFFD800  }
0x34: {  	[spmem:s3] =	stream.indirect.scatter.add.f32 [tilespmem:s21], [sflag:$0x5], $0x80, s25, s18, $0xb8;
	[tilespmem:$0x19200] =	vst v63  }
0x35: {  	_ =	swait.ge [sflag:s15], $0x2800  }
0x36: {  	s30 =	sadd.s32 $0x0, s12;
	[sflag:s15] =	ssyncset.done $0x0  }
0x37: {  	s29 =	sadd.s32 $0x200, s13;
	s28 =	simm.s32 $0x40;
	[sflag:s15] =	ssyncadd.s32 $0xFFFFD800  }
.LBB2_2:
0x38: {  	[tilespmem:s17], [sflag:$0x2] =	stream.linear.gather [hbm4b:s30+s5], $0x100, $0x38;
	[tilespmem:$0x19200] =	vst v63  }
0x39: {  	s30 =	smov.u32 s28  }
0x3a: {  	p0 =	sne.s32 s28, $0xF40;
	s28 =	sadd.s32 $0x40, s28;
	_ =	swait.ge [sflag:s20], $0x100  }
0x3b: {  	[sflag:s20] =	ssyncset.done $0x0  }
0x3c: {  	[sflag:s20] =	ssyncadd.s32 $0xFFFFFF00  }
0x3d: {  	[tilespmem:s21], [sflag:$0x4] =	stream.indirect.gather [hbm4b:s1+s18], $0x80, s17, s18, $0xb8;
	[tilespmem:$0x19200] =	vst v63  }
0x3e: {  	_ =	swait.ge [sflag:s22], $0x2800  }
0x3f: {  	[sflag:s22] =	ssyncset.done $0x0  }
0x40: {  	[sflag:s22] =	ssyncadd.s32 $0xFFFFD800  }
0x41: {  	[spmem:s3] =	stream.indirect.scatter.add.f32 [tilespmem:s19], [sflag:$0x5], $0x80, s23, s18, $0xb8;
	[tilespmem:$0x19200] =	vst v63  }
0x42: {  	_ =	swait.ge [sflag:s15], $0x2800  }
0x43: {  	s31 =	sshrl.u32 s29, $0x3;
	[sflag:s15] =	ssyncset.done $0x0  }
0x44: {  	s31 =	sadd.s32 s2, s31;
	[sflag:s15] =	ssyncadd.s32 $0xFFFFD800  }
0x45: {  	[tilespmem:s5], [sflag:$0x1] =	stream.linear.gather [hbm4b:s31+s5], $0x100, $0x38;
	[tilespmem:$0x19200] =	vst v63  }
0x46: {  	_ =	swait.ge [sflag:s16], $0x100  }
0x47: {  	[sflag:s16] =	ssyncset.done $0x0  }
0x48: {  	[sflag:s16] =	ssyncadd.s32 $0xFFFFFF00  }
0x49: {  	[tilespmem:s19], [sflag:$0x3] =	stream.indirect.gather [hbm4b:s1+s18], $0x80, s5, s18, $0xb8;
	[tilespmem:$0x19200] =	vst v63  }
0x4a: {  	_ =	swait.ge [sflag:s24], $0x2800  }
0x4b: {  	[sflag:s24] =	ssyncset.done $0x0  }
.Ltmp0:
0x4c: {  	[sflag:s24] =	ssyncadd.s32 $0xFFFFD800;
	(pc) =	sbr.rel @p0 .LBB2_2-.Ltmp0, $4  }
0x4d: {  	[spmem:s3] =	stream.indirect.scatter.add.f32 [tilespmem:s21], [sflag:$0x5], $0x80, s25, s18, $0xb8;
	[tilespmem:$0x19200] =	vst v63  }
0x4e: {  	_ =	swait.ge [sflag:s15], $0x2800  }
0x4f: {  	[sflag:s15] =	ssyncset.done $0x0  }
0x50: {  	s29 =	sadd.s32 $0x200, s29;
	s30 =	sadd.s32 s30, s12;
	[sflag:s15] =	ssyncadd.s32 $0xFFFFD800  }
0x51: {  	[tilespmem:s17], [sflag:$0x2] =	stream.linear.gather [hbm4b:s30+s5], $0x100, $0x38;
	[tilespmem:$0x19200] =	vst v63  }
0x52: {  	_ =	swait.ge [sflag:s20], $0x100  }
0x53: {  	[sflag:s20] =	ssyncset.done $0x0  }
0x54: {  	[sflag:s20] =	ssyncadd.s32 $0xFFFFFF00  }
0x55: {  	[tilespmem:s21], [sflag:$0x4] =	stream.indirect.gather [hbm4b:s1+s18], $0x80, s17, s18, $0xb8;
	[tilespmem:$0x19200] =	vst v63  }
0x56: {  	_ =	swait.ge [sflag:s22], $0x2800  }
0x57: {  	[sflag:s22] =	ssyncset.done $0x0  }
0x58: {  	[sflag:s22] =	ssyncadd.s32 $0xFFFFD800  }
0x59: {  	[spmem:s3] =	stream.indirect.scatter.add.f32 [tilespmem:s19], [sflag:$0x5], $0x80, s23, s18, $0xb8;
	[tilespmem:$0x19200] =	vst v63  }
0x5a: {  	_ =	swait.ge [sflag:s15], $0x2800  }
0x5b: {  	[sflag:s15] =	ssyncset.done $0x0  }
0x5c: {  	[sflag:s15] =	ssyncadd.s32 $0xFFFFD800  }
0x5d: {  	_ =	swait.ge [sflag:s24], $0x2800  }
0x5e: {  	[sflag:s24] =	ssyncset.done $0x0  }
0x5f: {  	[sflag:s24] =	ssyncadd.s32 $0xFFFFD800  }
0x60: {  	[spmem:s3] =	stream.indirect.scatter.add.f32 [tilespmem:s21], [sflag:$0x5], $0x80, s25, s18, $0xb8;
	[tilespmem:$0x19200] =	vst v63  }
0x61: {  	_ =	swait.ge [sflag:s15], $0x2800  }
0x62: {  	s26 =	sadd.s32 $0x1, s26;
	[sflag:s15] =	ssyncset.done $0x0  }
0x63: {  	p0 =	sne.s32 s26, s11;
	[sflag:s15] =	ssyncadd.s32 $0xFFFFD800  }
.Ltmp1:
0x64: {  	[bflag:$0x0] =	sbarrier.arrive $0xFFFF;
	(pc) =	sbr.rel @p0 .LBB2_1-.Ltmp1, $4  }
0x65: {  	[hbm:s10], [sflag:s8] =	dma.local [spmem:s14], $0x2800  }
0x66: {  	_ =	swait.ge [sflag:s15], $0x2800  }
0x67: {  	[sflag:s15] =	ssyncset.done $0x0  }
0x68: {  	[sflag:s15] =	ssyncadd.s32 $0xFFFFD800  }
0x69: {  	_ =	sfence.sel $0x180000  }
0x6a: {  	[bflag:$0x0] =	sbarrier.arrive $0xFFFF  }
0x6b: {  	p0 =	sne.s32 s4, $0x0;
	_ =	strace $0x9000004A  }
0x6c: {  	s0 =	sadd.s32 @!p0 $0x100000, s0;
	[bflag:$0x2] =	sbarrier.arrive $0xFFFF  }
0x6d: {  	[sflag:s0] =	ssyncadd.tile.s32 @!p0 $0x1;
	_ =	shalt  }
.Lfunc_end2:
_tile_overlayer_lowered:
.L_overlay_start_2:
0x6e: {  	(tag) =	ssettag $0x2  }
0x6f: {  	s0 =	rddreg [dreg:$0x0];
	s2 =	stileid.u32  }
0x70: {  	s1 =	rddreg [dreg:$0x1];
	p0 =	sne.s32 s2, $0x0  }
0x71: {  	s3 =	rddreg [dreg:$0x2];
	[bflag:$0x3] =	sbarrier.arrive $0xFFFF;
	s2 =	simm.s32 @!p0 $0x1C05  }
0x72: {  	[timem:s3], [sflag:s2] =	dma.local @!p0 [hbm:s0], s1  }
0x73: {  	s0 =	simm.s32 @!p0 $0x5  }
0x74: {  	_ =	swait.ge @!p0 [sflag:s0], s1  }
0x75: {  	s1 =	ssub.s32 @!p0 $0x0, s1;
	[sflag:s0] =	ssyncset.done @!p0 $0x0  }
0x76: {  	[sflag:s0] =	ssyncadd.s32 @!p0 s1  }
0x77: {  	[bflag:$0x3] =	sbarrier.arrive $0xFFFF  }
0x78: {  	_ =	shalt  }

</sc_bundles>
